<compile_context>
chip_gen: v7x
topology: tpu7x:2x2x1
jax: 0.10.2.dev20260603
libtpu: 0.0.44.dev20260713+nightly
codegen_flags: <defaults>
</compile_context>

<pallas_src>
import functools

import jax
import jax.numpy as jnp
from jax import lax
from jax.experimental import pallas as pl
from jax.experimental.pallas import tpu as pltpu
from jax.experimental.pallas import tpu_sc as plsc

_RANGE_MIN = 24
_RANGE_MAX = 31
_IN_DIM = 128
_EMB_DIM = 18
_B = 16384
_NW = 32
_ROWS = _B // _NW
_CHUNK = _ROWS * _IN_DIM
_NCARD = _RANGE_MAX - _RANGE_MIN
_NFIX = _ROWS * _NCARD
_NGRP = _NFIX // 16


def _sc_body(x_hbm, ft_hbm, out_hbm, pv, ft_v):
    nc = plsc.get_sparse_core_info().num_cores
    wid = lax.axis_index("s") * nc + lax.axis_index("c")
    base = wid * _CHUNK
    pltpu.sync_copy(ft_hbm, ft_v)
    for e in range(_EMB_DIM):
        pltpu.sync_copy(x_hbm.at[pl.ds(base, _CHUNK)], pv)

        def fix(g, carry):
            fi = ft_v[pl.ds(g * 16, 16)]
            if e == _EMB_DIM - 1:
                bitf = jnp.ones((16,), jnp.float32)
            else:
                vals = plsc.load_gather(pv, [fi])
                vi = vals.astype(jnp.int32)
                if e < 13:
                    hit = (vi >> 2) == e
                else:
                    hit = (vi & 3) == (e - 13)
                bitf = jnp.where(hit, 1.0, 0.0).astype(jnp.float32)
            plsc.store_scatter(pv, [fi], bitf)
            return carry

        lax.fori_loop(0, _NGRP, fix, 0)
        pltpu.sync_copy(pv, out_hbm.at[e, pl.ds(base, _CHUNK)])


@jax.jit
def _run(x2):
    f = jnp.arange(_NFIX, dtype=jnp.int32)
    flat_tbl = (f // _NCARD) * _IN_DIM + _RANGE_MIN + f % _NCARD
    mesh = plsc.VectorSubcoreMesh(core_axis_name="c", subcore_axis_name="s")
    k = functools.partial(
        pl.kernel,
        mesh=mesh,
        out_type=jax.ShapeDtypeStruct((_EMB_DIM, _B * _IN_DIM), jnp.float32),
        scratch_types=[
            pltpu.VMEM((_CHUNK,), jnp.float32),
            pltpu.VMEM((_NFIX,), jnp.int32),
        ],
        compiler_params=pltpu.CompilerParams(needs_layout_passes=False),
    )(_sc_body)
    out = k(x2.reshape(_B * _IN_DIM), flat_tbl)
    return out.reshape(_EMB_DIM, _B, _IN_DIM).transpose(1, 2, 0)


def kernel(x):
    if x.ndim == 3:
        x = x[:, 0, :]
    return _run(x)

# --- scband reference (transcript-rebuilt; emitter-appended) ---
"""Pipeline reference for scband-card-embedding-14096082666288 (READ-ONLY COPY).

The authoritative reference and input builder live on the scoring server;
editing this copy changes nothing except your own understanding.
"""

import jax, jax.numpy as jnp
import numpy as np

RANGE_MIN = 24
RANGE_MAX = 31
IN_DIM = 128
EMB_DIM = 18
BATCH = 16384


def card_int_to_emb(cards):
    # Card.int_to_emb equivalent: treys-style card int in [0,52).
    # rank = c // 4 (13 ranks one-hot), suit = c % 4 (4 suits one-hot) -> 17 dims,
    # then the original module pads with 1s up to emb_dim.
    rank = cards // 4
    suit = jnp.mod(cards, 4)
    rank_oh = jax.nn.one_hot(rank, 13, dtype=jnp.float32)
    suit_oh = jax.nn.one_hot(suit, 4, dtype=jnp.float32)
    emb17 = jnp.concatenate([rank_oh, suit_oh], axis=-1)
    pad = jnp.ones(emb17.shape[:-1] + (EMB_DIM - 17,), dtype=jnp.float32)
    return jnp.concatenate([emb17, pad], axis=-1)


def setup_inputs(seed: int = 0) -> dict:
    key = jax.random.key(seed)
    # obs vector; columns [RANGE_MIN:RANGE_MAX] hold card ints in [0,52),
    # other columns are arbitrary scalar features (here also small ints, fine).
    x = jax.random.randint(key, (BATCH, IN_DIM), 0, 52).astype(jnp.float32)
    return {"x": x}


def reference(x):
    if x.ndim == 2:
        x = x[:, None, :]
    # card columns -> learnable-free binary card embeddings
    xs = x[:, 0, RANGE_MIN:RANGE_MAX]
    cards = jax.lax.stop_gradient(xs).astype(jnp.int32)
    card_emb = card_int_to_emb(cards)  # [B, RANGE_MAX-RANGE_MIN, EMB_DIM]
    # non-card columns: broadcast scalar obs value across emb_dim
    b = x.shape[0]
    left = jnp.broadcast_to(x[:, 0, :RANGE_MIN, None], (b, RANGE_MIN, EMB_DIM))
    right = jnp.broadcast_to(
        x[:, 0, RANGE_MAX:IN_DIM, None], (b, IN_DIM - RANGE_MAX, EMB_DIM)
    )
    out = jnp.concatenate([left, card_emb, right], axis=1)  # [B, IN_DIM, EMB_DIM]
    return out

if __name__ == "__main__":
    import jax
    _d = setup_inputs()
    print(jax.jit(kernel)(*tuple(_d.values())))

</pallas_src>

<mosaic_0001>
#map = affine_map<(d0, d1) -> (0)>
#map1 = affine_map<(d0, d1) -> (0, 0)>
module attributes {stable_mosaic.version = 14 : i64} {
  func.func @_sc_body(%arg0: i32, %arg1: i32, %arg2: memref<2097152xf32, #tpu.memory_space<hbm>>, %arg3: memref<3584xi32, #tpu.memory_space<hbm>>, %arg4: memref<18x2097152xf32, #tpu.memory_space<hbm>>, %arg5: memref<65536xf32, #tpu.memory_space<vmem>>, %arg6: memref<3584xi32, #tpu.memory_space<vmem>>) attributes {dimension_semantics = [#tpu.dimension_semantics<core_parallel>, #tpu.dimension_semantics<subcore_parallel>], iteration_bounds = array<i64: 2, 16>, scalar_prefetch = 0 : i64, scratch_operands = 2 : i64, tpu.core_type = #tpu.core_type<sc_vector_subcore>, window_params = [{transform_indices = #map}, {transform_indices = #map}, {transform_indices = #map1}]} {
    %mul3A = arith.constant 2 : i32
    %mul3A_0 = arith.muli %arg1, %mul3A : i32
    %add3A = arith.addi %mul3A_0, %arg0 : i32
    %mul3A_1 = arith.constant 65536 : i32
    %mul3A_2 = arith.muli %add3A, %mul3A_1 : i32
    "tpu.region"() ({
      %run_scoped3A_127 = tpu.sem_alloc : memref<!tpu.dma_semaphore, #tpu.memory_space<semaphore_mem>>
      tpu.enqueue_dma source(%arg3 : memref<3584xi32, #tpu.memory_space<hbm>>) target(%arg6 : memref<3584xi32, #tpu.memory_space<vmem>>) target_semaphore(%run_scoped3A_127 : memref<!tpu.dma_semaphore, #tpu.memory_space<semaphore_mem>>)
      tpu.wait_dma2 semaphore(%run_scoped3A_127 : memref<!tpu.dma_semaphore, #tpu.memory_space<semaphore_mem>>) src(%arg3 : memref<3584xi32, #tpu.memory_space<hbm>>) dst(%arg6 : memref<3584xi32, #tpu.memory_space<vmem>>)
      tpu.yield
    }) : () -> ()
    "tpu.region"() ({
      %run_scoped3A_127 = tpu.sem_alloc : memref<!tpu.dma_semaphore, #tpu.memory_space<semaphore_mem>>
      %dma_start3A = tpu.memref_slice %arg2[%mul3A_2] : memref<2097152xf32, #tpu.memory_space<hbm>> -> memref<65536xf32, #tpu.memory_space<hbm>>
      %dma_start3A_128 = tpu.memref_slice %arg2[%mul3A_2] : memref<2097152xf32, #tpu.memory_space<hbm>> -> memref<65536xf32, #tpu.memory_space<hbm>>
      tpu.enqueue_dma source(%dma_start3A_128 : memref<65536xf32, #tpu.memory_space<hbm>>) target(%arg5 : memref<65536xf32, #tpu.memory_space<vmem>>) target_semaphore(%run_scoped3A_127 : memref<!tpu.dma_semaphore, #tpu.memory_space<semaphore_mem>>)
      %dma_wait3A = tpu.memref_slice %arg2[%mul3A_2] : memref<2097152xf32, #tpu.memory_space<hbm>> -> memref<65536xf32, #tpu.memory_space<hbm>>
      %dma_wait3A_129 = tpu.memref_slice %arg2[%mul3A_2] : memref<2097152xf32, #tpu.memory_space<hbm>> -> memref<65536xf32, #tpu.memory_space<hbm>>
      tpu.wait_dma2 semaphore(%run_scoped3A_127 : memref<!tpu.dma_semaphore, #tpu.memory_space<semaphore_mem>>) src(%dma_wait3A_129 : memref<65536xf32, #tpu.memory_space<hbm>>) dst(%arg5 : memref<65536xf32, #tpu.memory_space<vmem>>)
      tpu.yield
    }) : () -> ()
    %scan3A = arith.constant 0 : i32
    %scan3A_3 = arith.constant 0 : i32
    %scan3A_4 = arith.constant 224 : i32
    %scan3A_5 = arith.addi %scan3A_3, %scan3A_4 : i32
    %scan3A_6 = arith.constant 1 : i32
    scf.for %scan3A_127 = %scan3A_3 to %scan3A_5 step %scan3A_6  : i32 {
      %mul3A_128 = arith.constant 16 : i32
      %mul3A_129 = arith.muli %scan3A_127, %mul3A_128 : i32
      %get3A = arith.index_cast %mul3A_129 : i32 to index
      %get3A_130 = tpu.vector_load %arg6[%get3A] {strides = array<i32>} : memref<3584xi32, #tpu.memory_space<vmem>>, vector<16xi32>,
      %gather3A = tpu.vector_load_idx %arg5[%get3A_130] : memref<65536xf32, #tpu.memory_space<vmem>>[vector<16xi32>], vector<16xf32>,
      %convert_element_type3A = arith.fptosi %gather3A : vector<16xf32> to vector<16xi32>
      %shift_right_arithmetic3A = arith.constant 2 : i32
      %shift_right_arithmetic3A_131 = vector.broadcast %shift_right_arithmetic3A : i32 to vector<16xi32>
      %shift_right_arithmetic3A_132 = arith.shrsi %convert_element_type3A, %shift_right_arithmetic3A_131 : vector<16xi32>
      %eq3A = arith.constant 0 : i32
      %eq3A_133 = vector.broadcast %eq3A : i32 to vector<16xi32>
      %eq3A_134 = arith.cmpi eq, %shift_right_arithmetic3A_132, %eq3A_133 : vector<16xi32>
      %jit3A = arith.constant 1.000000e+00 : f32
      %jit3A_135 = arith.constant 0.000000e+00 : f32
      %broadcast_in_dim3A = vector.broadcast %jit3A : f32 to vector<16xf32>
      %broadcast_in_dim3A_136 = vector.broadcast %jit3A_135 : f32 to vector<16xf32>
      %select_n3A = arith.select %eq3A_134, %broadcast_in_dim3A, %broadcast_in_dim3A_136 : vector<16xi1>, vector<16xf32>
      tpu.vector_store_idx %arg5[%get3A_130], %select_n3A : memref<65536xf32, #tpu.memory_space<vmem>>[vector<16xi32>], vector<16xf32>,
    }
    %scan3A_7 = arith.constant 224 : i32
    %run_scoped3A = arith.constant 0 : i32
    "tpu.region"() ({
      %run_scoped3A_127 = tpu.sem_alloc : memref<!tpu.dma_semaphore, #tpu.memory_space<semaphore_mem>>
      %dma_start3A = tpu.memref_slice %arg4[%run_scoped3A, %mul3A_2] : memref<18x2097152xf32, #tpu.memory_space<hbm>> -> memref<1x65536xf32, #tpu.memory_space<hbm>>
      %dma_start3A_128 = tpu.memref_squeeze %dma_start3A : memref<1x65536xf32, #tpu.memory_space<hbm>> -> memref<65536xf32, #tpu.memory_space<hbm>>
      %dma_start3A_129 = tpu.memref_slice %arg4[%run_scoped3A, %mul3A_2] : memref<18x2097152xf32, #tpu.memory_space<hbm>> -> memref<1x65536xf32, #tpu.memory_space<hbm>>
      %dma_start3A_130 = tpu.memref_squeeze %dma_start3A_129 : memref<1x65536xf32, #tpu.memory_space<hbm>> -> memref<65536xf32, #tpu.memory_space<hbm>>
      tpu.enqueue_dma source(%arg5 : memref<65536xf32, #tpu.memory_space<vmem>>) target(%dma_start3A_130 : memref<65536xf32, #tpu.memory_space<hbm>>) target_semaphore(%run_scoped3A_127 : memref<!tpu.dma_semaphore, #tpu.memory_space<semaphore_mem>>)
      %dma_wait3A = tpu.memref_slice %arg4[%run_scoped3A, %mul3A_2] : memref<18x2097152xf32, #tpu.memory_space<hbm>> -> memref<1x65536xf32, #tpu.memory_space<hbm>>
      %dma_wait3A_131 = tpu.memref_squeeze %dma_wait3A : memref<1x65536xf32, #tpu.memory_space<hbm>> -> memref<65536xf32, #tpu.memory_space<hbm>>
      %dma_wait3A_132 = tpu.memref_slice %arg4[%run_scoped3A, %mul3A_2] : memref<18x2097152xf32, #tpu.memory_space<hbm>> -> memref<1x65536xf32, #tpu.memory_space<hbm>>
      %dma_wait3A_133 = tpu.memref_squeeze %dma_wait3A_132 : memref<1x65536xf32, #tpu.memory_space<hbm>> -> memref<65536xf32, #tpu.memory_space<hbm>>
      tpu.wait_dma2 semaphore(%run_scoped3A_127 : memref<!tpu.dma_semaphore, #tpu.memory_space<semaphore_mem>>) src(%arg5 : memref<65536xf32, #tpu.memory_space<vmem>>) dst(%dma_wait3A_133 : memref<65536xf32, #tpu.memory_space<hbm>>)
      tpu.yield
    }) : () -> ()
    "tpu.region"() ({
      %run_scoped3A_127 = tpu.sem_alloc : memref<!tpu.dma_semaphore, #tpu.memory_space<semaphore_mem>>
      %dma_start3A = tpu.memref_slice %arg2[%mul3A_2] : memref<2097152xf32, #tpu.memory_space<hbm>> -> memref<65536xf32, #tpu.memory_space<hbm>>
      %dma_start3A_128 = tpu.memref_slice %arg2[%mul3A_2] : memref<2097152xf32, #tpu.memory_space<hbm>> -> memref<65536xf32, #tpu.memory_space<hbm>>
      tpu.enqueue_dma source(%dma_start3A_128 : memref<65536xf32, #tpu.memory_space<hbm>>) target(%arg5 : memref<65536xf32, #tpu.memory_space<vmem>>) target_semaphore(%run_scoped3A_127 : memref<!tpu.dma_semaphore, #tpu.memory_space<semaphore_mem>>)
      %dma_wait3A = tpu.memref_slice %arg2[%mul3A_2] : memref<2097152xf32, #tpu.memory_space<hbm>> -> memref<65536xf32, #tpu.memory_space<hbm>>
      %dma_wait3A_129 = tpu.memref_slice %arg2[%mul3A_2] : memref<2097152xf32, #tpu.memory_space<hbm>> -> memref<65536xf32, #tpu.memory_space<hbm>>
      tpu.wait_dma2 semaphore(%run_scoped3A_127 : memref<!tpu.dma_semaphore, #tpu.memory_space<semaphore_mem>>) src(%dma_wait3A_129 : memref<65536xf32, #tpu.memory_space<hbm>>) dst(%arg5 : memref<65536xf32, #tpu.memory_space<vmem>>)
      tpu.yield
    }) : () -> ()
    %scan3A_8 = arith.constant 0 : i32
    %scan3A_9 = arith.constant 0 : i32
    %scan3A_10 = arith.constant 224 : i32
    %scan3A_11 = arith.addi %scan3A_9, %scan3A_10 : i32
    %scan3A_12 = arith.constant 1 : i32
    scf.for %scan3A_127 = %scan3A_9 to %scan3A_11 step %scan3A_12  : i32 {
      %mul3A_128 = arith.constant 16 : i32
      %mul3A_129 = arith.muli %scan3A_127, %mul3A_128 : i32
      %get3A = arith.index_cast %mul3A_129 : i32 to index
      %get3A_130 = tpu.vector_load %arg6[%get3A] {strides = array<i32>} : memref<3584xi32, #tpu.memory_space<vmem>>, vector<16xi32>,
      %gather3A = tpu.vector_load_idx %arg5[%get3A_130] : memref<65536xf32, #tpu.memory_space<vmem>>[vector<16xi32>], vector<16xf32>,
      %convert_element_type3A = arith.fptosi %gather3A : vector<16xf32> to vector<16xi32>
      %shift_right_arithmetic3A = arith.constant 2 : i32
      %shift_right_arithmetic3A_131 = vector.broadcast %shift_right_arithmetic3A : i32 to vector<16xi32>
      %shift_right_arithmetic3A_132 = arith.shrsi %convert_element_type3A, %shift_right_arithmetic3A_131 : vector<16xi32>
      %eq3A = arith.constant 1 : i32
      %eq3A_133 = vector.broadcast %eq3A : i32 to vector<16xi32>
      %eq3A_134 = arith.cmpi eq, %shift_right_arithmetic3A_132, %eq3A_133 : vector<16xi32>
      %jit3A = arith.constant 1.000000e+00 : f32
      %jit3A_135 = arith.constant 0.000000e+00 : f32
      %broadcast_in_dim3A = vector.broadcast %jit3A : f32 to vector<16xf32>
      %broadcast_in_dim3A_136 = vector.broadcast %jit3A_135 : f32 to vector<16xf32>
      %select_n3A = arith.select %eq3A_134, %broadcast_in_dim3A, %broadcast_in_dim3A_136 : vector<16xi1>, vector<16xf32>
      tpu.vector_store_idx %arg5[%get3A_130], %select_n3A : memref<65536xf32, #tpu.memory_space<vmem>>[vector<16xi32>], vector<16xf32>,
    }
    %scan3A_13 = arith.constant 224 : i32
    %run_scoped3A_14 = arith.constant 1 : i32
    "tpu.region"() ({
      %run_scoped3A_127 = tpu.sem_alloc : memref<!tpu.dma_semaphore, #tpu.memory_space<semaphore_mem>>
      %dma_start3A = tpu.memref_slice %arg4[%run_scoped3A_14, %mul3A_2] : memref<18x2097152xf32, #tpu.memory_space<hbm>> -> memref<1x65536xf32, #tpu.memory_space<hbm>>
      %dma_start3A_128 = tpu.memref_squeeze %dma_start3A : memref<1x65536xf32, #tpu.memory_space<hbm>> -> memref<65536xf32, #tpu.memory_space<hbm>>
      %dma_start3A_129 = tpu.memref_slice %arg4[%run_scoped3A_14, %mul3A_2] : memref<18x2097152xf32, #tpu.memory_space<hbm>> -> memref<1x65536xf32, #tpu.memory_space<hbm>>
      %dma_start3A_130 = tpu.memref_squeeze %dma_start3A_129 : memref<1x65536xf32, #tpu.memory_space<hbm>> -> memref<65536xf32, #tpu.memory_space<hbm>>
      tpu.enqueue_dma source(%arg5 : memref<65536xf32, #tpu.memory_space<vmem>>) target(%dma_start3A_130 : memref<65536xf32, #tpu.memory_space<hbm>>) target_semaphore(%run_scoped3A_127 : memref<!tpu.dma_semaphore, #tpu.memory_space<semaphore_mem>>)
      %dma_wait3A = tpu.memref_slice %arg4[%run_scoped3A_14, %mul3A_2] : memref<18x2097152xf32, #tpu.memory_space<hbm>> -> memref<1x65536xf32, #tpu.memory_space<hbm>>
      %dma_wait3A_131 = tpu.memref_squeeze %dma_wait3A : memref<1x65536xf32, #tpu.memory_space<hbm>> -> memref<65536xf32, #tpu.memory_space<hbm>>
      %dma_wait3A_132 = tpu.memref_slice %arg4[%run_scoped3A_14, %mul3A_2] : memref<18x2097152xf32, #tpu.memory_space<hbm>> -> memref<1x65536xf32, #tpu.memory_space<hbm>>
      %dma_wait3A_133 = tpu.memref_squeeze %dma_wait3A_132 : memref<1x65536xf32, #tpu.memory_space<hbm>> -> memref<65536xf32, #tpu.memory_space<hbm>>
      tpu.wait_dma2 semaphore(%run_scoped3A_127 : memref<!tpu.dma_semaphore, #tpu.memory_space<semaphore_mem>>) src(%arg5 : memref<65536xf32, #tpu.memory_space<vmem>>) dst(%dma_wait3A_133 : memref<65536xf32, #tpu.memory_space<hbm>>)
      tpu.yield
    }) : () -> ()
    "tpu.region"() ({
      %run_scoped3A_127 = tpu.sem_alloc : memref<!tpu.dma_semaphore, #tpu.memory_space<semaphore_mem>>
      %dma_start3A = tpu.memref_slice %arg2[%mul3A_2] : memref<2097152xf32, #tpu.memory_space<hbm>> -> memref<65536xf32, #tpu.memory_space<hbm>>
      %dma_start3A_128 = tpu.memref_slice %arg2[%mul3A_2] : memref<2097152xf32, #tpu.memory_space<hbm>> -> memref<65536xf32, #tpu.memory_space<hbm>>
      tpu.enqueue_dma source(%dma_start3A_128 : memref<65536xf32, #tpu.memory_space<hbm>>) target(%arg5 : memref<65536xf32, #tpu.memory_space<vmem>>) target_semaphore(%run_scoped3A_127 : memref<!tpu.dma_semaphore, #tpu.memory_space<semaphore_mem>>)
      %dma_wait3A = tpu.memref_slice %arg2[%mul3A_2] : memref<2097152xf32, #tpu.memory_space<hbm>> -> memref<65536xf32, #tpu.memory_space<hbm>>
      %dma_wait3A_129 = tpu.memref_slice %arg2[%mul3A_2] : memref<2097152xf32, #tpu.memory_space<hbm>> -> memref<65536xf32, #tpu.memory_space<hbm>>
      tpu.wait_dma2 semaphore(%run_scoped3A_127 : memref<!tpu.dma_semaphore, #tpu.memory_space<semaphore_mem>>) src(%dma_wait3A_129 : memref<65536xf32, #tpu.memory_space<hbm>>) dst(%arg5 : memref<65536xf32, #tpu.memory_space<vmem>>)
      tpu.yield
    }) : () -> ()
    %scan3A_15 = arith.constant 0 : i32
    %scan3A_16 = arith.constant 0 : i32
    %scan3A_17 = arith.constant 224 : i32
    %scan3A_18 = arith.addi %scan3A_16, %scan3A_17 : i32
    %scan3A_19 = arith.constant 1 : i32
    scf.for %scan3A_127 = %scan3A_16 to %scan3A_18 step %scan3A_19  : i32 {
      %mul3A_128 = arith.constant 16 : i32
      %mul3A_129 = arith.muli %scan3A_127, %mul3A_128 : i32
      %get3A = arith.index_cast %mul3A_129 : i32 to index
      %get3A_130 = tpu.vector_load %arg6[%get3A] {strides = array<i32>} : memref<3584xi32, #tpu.memory_space<vmem>>, vector<16xi32>,
      %gather3A = tpu.vector_load_idx %arg5[%get3A_130] : memref<65536xf32, #tpu.memory_space<vmem>>[vector<16xi32>], vector<16xf32>,
      %convert_element_type3A = arith.fptosi %gather3A : vector<16xf32> to vector<16xi32>
      %shift_right_arithmetic3A = arith.constant 2 : i32
      %shift_right_arithmetic3A_131 = vector.broadcast %shift_right_arithmetic3A : i32 to vector<16xi32>
      %shift_right_arithmetic3A_132 = arith.shrsi %convert_element_type3A, %shift_right_arithmetic3A_131 : vector<16xi32>
      %eq3A = arith.constant 2 : i32
      %eq3A_133 = vector.broadcast %eq3A : i32 to vector<16xi32>
      %eq3A_134 = arith.cmpi eq, %shift_right_arithmetic3A_132, %eq3A_133 : vector<16xi32>
      %jit3A = arith.constant 1.000000e+00 : f32
      %jit3A_135 = arith.constant 0.000000e+00 : f32
      %broadcast_in_dim3A = vector.broadcast %jit3A : f32 to vector<16xf32>
      %broadcast_in_dim3A_136 = vector.broadcast %jit3A_135 : f32 to vector<16xf32>
      %select_n3A = arith.select %eq3A_134, %broadcast_in_dim3A, %broadcast_in_dim3A_136 : vector<16xi1>, vector<16xf32>
      tpu.vector_store_idx %arg5[%get3A_130], %select_n3A : memref<65536xf32, #tpu.memory_space<vmem>>[vector<16xi32>], vector<16xf32>,
    }
    %scan3A_20 = arith.constant 224 : i32
    %run_scoped3A_21 = arith.constant 2 : i32
    "tpu.region"() ({
      %run_scoped3A_127 = tpu.sem_alloc : memref<!tpu.dma_semaphore, #tpu.memory_space<semaphore_mem>>
      %dma_start3A = tpu.memref_slice %arg4[%run_scoped3A_21, %mul3A_2] : memref<18x2097152xf32, #tpu.memory_space<hbm>> -> memref<1x65536xf32, #tpu.memory_space<hbm>>
      %dma_start3A_128 = tpu.memref_squeeze %dma_start3A : memref<1x65536xf32, #tpu.memory_space<hbm>> -> memref<65536xf32, #tpu.memory_space<hbm>>
      %dma_start3A_129 = tpu.memref_slice %arg4[%run_scoped3A_21, %mul3A_2] : memref<18x2097152xf32, #tpu.memory_space<hbm>> -> memref<1x65536xf32, #tpu.memory_space<hbm>>
      %dma_start3A_130 = tpu.memref_squeeze %dma_start3A_129 : memref<1x65536xf32, #tpu.memory_space<hbm>> -> memref<65536xf32, #tpu.memory_space<hbm>>
      tpu.enqueue_dma source(%arg5 : memref<65536xf32, #tpu.memory_space<vmem>>) target(%dma_start3A_130 : memref<65536xf32, #tpu.memory_space<hbm>>) target_semaphore(%run_scoped3A_127 : memref<!tpu.dma_semaphore, #tpu.memory_space<semaphore_mem>>)
      %dma_wait3A = tpu.memref_slice %arg4[%run_scoped3A_21, %mul3A_2] : memref<18x2097152xf32, #tpu.memory_space<hbm>> -> memref<1x65536xf32, #tpu.memory_space<hbm>>
      %dma_wait3A_131 = tpu.memref_squeeze %dma_wait3A : memref<1x65536xf32, #tpu.memory_space<hbm>> -> memref<65536xf32, #tpu.memory_space<hbm>>
      %dma_wait3A_132 = tpu.memref_slice %arg4[%run_scoped3A_21, %mul3A_2] : memref<18x2097152xf32, #tpu.memory_space<hbm>> -> memref<1x65536xf32, #tpu.memory_space<hbm>>
      %dma_wait3A_133 = tpu.memref_squeeze %dma_wait3A_132 : memref<1x65536xf32, #tpu.memory_space<hbm>> -> memref<65536xf32, #tpu.memory_space<hbm>>
      tpu.wait_dma2 semaphore(%run_scoped3A_127 : memref<!tpu.dma_semaphore, #tpu.memory_space<semaphore_mem>>) src(%arg5 : memref<65536xf32, #tpu.memory_space<vmem>>) dst(%dma_wait3A_133 : memref<65536xf32, #tpu.memory_space<hbm>>)
      tpu.yield
    }) : () -> ()
    "tpu.region"() ({
      %run_scoped3A_127 = tpu.sem_alloc : memref<!tpu.dma_semaphore, #tpu.memory_space<semaphore_mem>>
      %dma_start3A = tpu.memref_slice %arg2[%mul3A_2] : memref<2097152xf32, #tpu.memory_space<hbm>> -> memref<65536xf32, #tpu.memory_space<hbm>>
      %dma_start3A_128 = tpu.memref_slice %arg2[%mul3A_2] : memref<2097152xf32, #tpu.memory_space<hbm>> -> memref<65536xf32, #tpu.memory_space<hbm>>
      tpu.enqueue_dma source(%dma_start3A_128 : memref<65536xf32, #tpu.memory_space<hbm>>) target(%arg5 : memref<65536xf32, #tpu.memory_space<vmem>>) target_semaphore(%run_scoped3A_127 : memref<!tpu.dma_semaphore, #tpu.memory_space<semaphore_mem>>)
      %dma_wait3A = tpu.memref_slice %arg2[%mul3A_2] : memref<2097152xf32, #tpu.memory_space<hbm>> -> memref<65536xf32, #tpu.memory_space<hbm>>
      %dma_wait3A_129 = tpu.memref_slice %arg2[%mul3A_2] : memref<2097152xf32, #tpu.memory_space<hbm>> -> memref<65536xf32, #tpu.memory_space<hbm>>
      tpu.wait_dma2 semaphore(%run_scoped3A_127 : memref<!tpu.dma_semaphore, #tpu.memory_space<semaphore_mem>>) src(%dma_wait3A_129 : memref<65536xf32, #tpu.memory_space<hbm>>) dst(%arg5 : memref<65536xf32, #tpu.memory_space<vmem>>)
      tpu.yield
    }) : () -> ()
    %scan3A_22 = arith.constant 0 : i32
    %scan3A_23 = arith.constant 0 : i32
    %scan3A_24 = arith.constant 224 : i32
    %scan3A_25 = arith.addi %scan3A_23, %scan3A_24 : i32
    %scan3A_26 = arith.constant 1 : i32
    scf.for %scan3A_127 = %scan3A_23 to %scan3A_25 step %scan3A_26  : i32 {
      %mul3A_128 = arith.constant 16 : i32
      %mul3A_129 = arith.muli %scan3A_127, %mul3A_128 : i32
      %get3A = arith.index_cast %mul3A_129 : i32 to index
      %get3A_130 = tpu.vector_load %arg6[%get3A] {strides = array<i32>} : memref<3584xi32, #tpu.memory_space<vmem>>, vector<16xi32>,
      %gather3A = tpu.vector_load_idx %arg5[%get3A_130] : memref<65536xf32, #tpu.memory_space<vmem>>[vector<16xi32>], vector<16xf32>,
      %convert_element_type3A = arith.fptosi %gather3A : vector<16xf32> to vector<16xi32>
      %shift_right_arithmetic3A = arith.constant 2 : i32
      %shift_right_arithmetic3A_131 = vector.broadcast %shift_right_arithmetic3A : i32 to vector<16xi32>
      %shift_right_arithmetic3A_132 = arith.shrsi %convert_element_type3A, %shift_right_arithmetic3A_131 : vector<16xi32>
      %eq3A = arith.constant 3 : i32
      %eq3A_133 = vector.broadcast %eq3A : i32 to vector<16xi32>
      %eq3A_134 = arith.cmpi eq, %shift_right_arithmetic3A_132, %eq3A_133 : vector<16xi32>
      %jit3A = arith.constant 1.000000e+00 : f32
      %jit3A_135 = arith.constant 0.000000e+00 : f32
      %broadcast_in_dim3A = vector.broadcast %jit3A : f32 to vector<16xf32>
      %broadcast_in_dim3A_136 = vector.broadcast %jit3A_135 : f32 to vector<16xf32>
      %select_n3A = arith.select %eq3A_134, %broadcast_in_dim3A, %broadcast_in_dim3A_136 : vector<16xi1>, vector<16xf32>
      tpu.vector_store_idx %arg5[%get3A_130], %select_n3A : memref<65536xf32, #tpu.memory_space<vmem>>[vector<16xi32>], vector<16xf32>,
    }
    %scan3A_27 = arith.constant 224 : i32
    %run_scoped3A_28 = arith.constant 3 : i32
    "tpu.region"() ({
      %run_scoped3A_127 = tpu.sem_alloc : memref<!tpu.dma_semaphore, #tpu.memory_space<semaphore_mem>>
      %dma_start3A = tpu.memref_slice %arg4[%run_scoped3A_28, %mul3A_2] : memref<18x2097152xf32, #tpu.memory_space<hbm>> -> memref<1x65536xf32, #tpu.memory_space<hbm>>
      %dma_start3A_128 = tpu.memref_squeeze %dma_start3A : memref<1x65536xf32, #tpu.memory_space<hbm>> -> memref<65536xf32, #tpu.memory_space<hbm>>
      %dma_start3A_129 = tpu.memref_slice %arg4[%run_scoped3A_28, %mul3A_2] : memref<18x2097152xf32, #tpu.memory_space<hbm>> -> memref<1x65536xf32, #tpu.memory_space<hbm>>
      %dma_start3A_130 = tpu.memref_squeeze %dma_start3A_129 : memref<1x65536xf32, #tpu.memory_space<hbm>> -> memref<65536xf32, #tpu.memory_space<hbm>>
      tpu.enqueue_dma source(%arg5 : memref<65536xf32, #tpu.memory_space<vmem>>) target(%dma_start3A_130 : memref<65536xf32, #tpu.memory_space<hbm>>) target_semaphore(%run_scoped3A_127 : memref<!tpu.dma_semaphore, #tpu.memory_space<semaphore_mem>>)
      %dma_wait3A = tpu.memref_slice %arg4[%run_scoped3A_28, %mul3A_2] : memref<18x2097152xf32, #tpu.memory_space<hbm>> -> memref<1x65536xf32, #tpu.memory_space<hbm>>
      %dma_wait3A_131 = tpu.memref_squeeze %dma_wait3A : memref<1x65536xf32, #tpu.memory_space<hbm>> -> memref<65536xf32, #tpu.memory_space<hbm>>
      %dma_wait3A_132 = tpu.memref_slice %arg4[%run_scoped3A_28, %mul3A_2] : memref<18x2097152xf32, #tpu.memory_space<hbm>> -> memref<1x65536xf32, #tpu.memory_space<hbm>>
      %dma_wait3A_133 = tpu.memref_squeeze %dma_wait3A_132 : memref<1x65536xf32, #tpu.memory_space<hbm>> -> memref<65536xf32, #tpu.memory_space<hbm>>
      tpu.wait_dma2 semaphore(%run_scoped3A_127 : memref<!tpu.dma_semaphore, #tpu.memory_space<semaphore_mem>>) src(%arg5 : memref<65536xf32, #tpu.memory_space<vmem>>) dst(%dma_wait3A_133 : memref<65536xf32, #tpu.memory_space<hbm>>)
      tpu.yield
    }) : () -> ()
    "tpu.region"() ({
      %run_scoped3A_127 = tpu.sem_alloc : memref<!tpu.dma_semaphore, #tpu.memory_space<semaphore_mem>>
      %dma_start3A = tpu.memref_slice %arg2[%mul3A_2] : memref<2097152xf32, #tpu.memory_space<hbm>> -> memref<65536xf32, #tpu.memory_space<hbm>>
      %dma_start3A_128 = tpu.memref_slice %arg2[%mul3A_2] : memref<2097152xf32, #tpu.memory_space<hbm>> -> memref<65536xf32, #tpu.memory_space<hbm>>
      tpu.enqueue_dma source(%dma_start3A_128 : memref<65536xf32, #tpu.memory_space<hbm>>) target(%arg5 : memref<65536xf32, #tpu.memory_space<vmem>>) target_semaphore(%run_scoped3A_127 : memref<!tpu.dma_semaphore, #tpu.memory_space<semaphore_mem>>)
      %dma_wait3A = tpu.memref_slice %arg2[%mul3A_2] : memref<2097152xf32, #tpu.memory_space<hbm>> -> memref<65536xf32, #tpu.memory_space<hbm>>
      %dma_wait3A_129 = tpu.memref_slice %arg2[%mul3A_2] : memref<2097152xf32, #tpu.memory_space<hbm>> -> memref<65536xf32, #tpu.memory_space<hbm>>
      tpu.wait_dma2 semaphore(%run_scoped3A_127 : memref<!tpu.dma_semaphore, #tpu.memory_space<semaphore_mem>>) src(%dma_wait3A_129 : memref<65536xf32, #tpu.memory_space<hbm>>) dst(%arg5 : memref<65536xf32, #tpu.memory_space<vmem>>)
      tpu.yield
    }) : () -> ()
    %scan3A_29 = arith.constant 0 : i32
    %scan3A_30 = arith.constant 0 : i32
    %scan3A_31 = arith.constant 224 : i32
    %scan3A_32 = arith.addi %scan3A_30, %scan3A_31 : i32
    %scan3A_33 = arith.constant 1 : i32
    scf.for %scan3A_127 = %scan3A_30 to %scan3A_32 step %scan3A_33  : i32 {
      %mul3A_128 = arith.constant 16 : i32
      %mul3A_129 = arith.muli %scan3A_127, %mul3A_128 : i32
      %get3A = arith.index_cast %mul3A_129 : i32 to index
      %get3A_130 = tpu.vector_load %arg6[%get3A] {strides = array<i32>} : memref<3584xi32, #tpu.memory_space<vmem>>, vector<16xi32>,
      %gather3A = tpu.vector_load_idx %arg5[%get3A_130] : memref<65536xf32, #tpu.memory_space<vmem>>[vector<16xi32>], vector<16xf32>,
      %convert_element_type3A = arith.fptosi %gather3A : vector<16xf32> to vector<16xi32>
      %shift_right_arithmetic3A = arith.constant 2 : i32
      %shift_right_arithmetic3A_131 = vector.broadcast %shift_right_arithmetic3A : i32 to vector<16xi32>
      %shift_right_arithmetic3A_132 = arith.shrsi %convert_element_type3A, %shift_right_arithmetic3A_131 : vector<16xi32>
      %eq3A = arith.constant 4 : i32
      %eq3A_133 = vector.broadcast %eq3A : i32 to vector<16xi32>
      %eq3A_134 = arith.cmpi eq, %shift_right_arithmetic3A_132, %eq3A_133 : vector<16xi32>
      %jit3A = arith.constant 1.000000e+00 : f32
      %jit3A_135 = arith.constant 0.000000e+00 : f32
      %broadcast_in_dim3A = vector.broadcast %jit3A : f32 to vector<16xf32>
      %broadcast_in_dim3A_136 = vector.broadcast %jit3A_135 : f32 to vector<16xf32>
      %select_n3A = arith.select %eq3A_134, %broadcast_in_dim3A, %broadcast_in_dim3A_136 : vector<16xi1>, vector<16xf32>
      tpu.vector_store_idx %arg5[%get3A_130], %select_n3A : memref<65536xf32, #tpu.memory_space<vmem>>[vector<16xi32>], vector<16xf32>,
    }
    %scan3A_34 = arith.constant 224 : i32
    %run_scoped3A_35 = arith.constant 4 : i32
    "tpu.region"() ({
      %run_scoped3A_127 = tpu.sem_alloc : memref<!tpu.dma_semaphore, #tpu.memory_space<semaphore_mem>>
      %dma_start3A = tpu.memref_slice %arg4[%run_scoped3A_35, %mul3A_2] : memref<18x2097152xf32, #tpu.memory_space<hbm>> -> memref<1x65536xf32, #tpu.memory_space<hbm>>
      %dma_start3A_128 = tpu.memref_squeeze %dma_start3A : memref<1x65536xf32, #tpu.memory_space<hbm>> -> memref<65536xf32, #tpu.memory_space<hbm>>
      %dma_start3A_129 = tpu.memref_slice %arg4[%run_scoped3A_35, %mul3A_2] : memref<18x2097152xf32, #tpu.memory_space<hbm>> -> memref<1x65536xf32, #tpu.memory_space<hbm>>
      %dma_start3A_130 = tpu.memref_squeeze %dma_start3A_129 : memref<1x65536xf32, #tpu.memory_space<hbm>> -> memref<65536xf32, #tpu.memory_space<hbm>>
      tpu.enqueue_dma source(%arg5 : memref<65536xf32, #tpu.memory_space<vmem>>) target(%dma_start3A_130 : memref<65536xf32, #tpu.memory_space<hbm>>) target_semaphore(%run_scoped3A_127 : memref<!tpu.dma_semaphore, #tpu.memory_space<semaphore_mem>>)
      %dma_wait3A = tpu.memref_slice %arg4[%run_scoped3A_35, %mul3A_2] : memref<18x2097152xf32, #tpu.memory_space<hbm>> -> memref<1x65536xf32, #tpu.memory_space<hbm>>
      %dma_wait3A_131 = tpu.memref_squeeze %dma_wait3A : memref<1x65536xf32, #tpu.memory_space<hbm>> -> memref<65536xf32, #tpu.memory_space<hbm>>
      %dma_wait3A_132 = tpu.memref_slice %arg4[%run_scoped3A_35, %mul3A_2] : memref<18x2097152xf32, #tpu.memory_space<hbm>> -> memref<1x65536xf32, #tpu.memory_space<hbm>>
      %dma_wait3A_133 = tpu.memref_squeeze %dma_wait3A_132 : memref<1x65536xf32, #tpu.memory_space<hbm>> -> memref<65536xf32, #tpu.memory_space<hbm>>
      tpu.wait_dma2 semaphore(%run_scoped3A_127 : memref<!tpu.dma_semaphore, #tpu.memory_space<semaphore_mem>>) src(%arg5 : memref<65536xf32, #tpu.memory_space<vmem>>) dst(%dma_wait3A_133 : memref<65536xf32, #tpu.memory_space<hbm>>)
      tpu.yield
    }) : () -> ()
    "tpu.region"() ({
      %run_scoped3A_127 = tpu.sem_alloc : memref<!tpu.dma_semaphore, #tpu.memory_space<semaphore_mem>>
      %dma_start3A = tpu.memref_slice %arg2[%mul3A_2] : memref<2097152xf32, #tpu.memory_space<hbm>> -> memref<65536xf32, #tpu.memory_space<hbm>>
      %dma_start3A_128 = tpu.memref_slice %arg2[%mul3A_2] : memref<2097152xf32, #tpu.memory_space<hbm>> -> memref<65536xf32, #tpu.memory_space<hbm>>
      tpu.enqueue_dma source(%dma_start3A_128 : memref<65536xf32, #tpu.memory_space<hbm>>) target(%arg5 : memref<65536xf32, #tpu.memory_space<vmem>>) target_semaphore(%run_scoped3A_127 : memref<!tpu.dma_semaphore, #tpu.memory_space<semaphore_mem>>)
      %dma_wait3A = tpu.memref_slice %arg2[%mul3A_2] : memref<2097152xf32, #tpu.memory_space<hbm>> -> memref<65536xf32, #tpu.memory_space<hbm>>
      %dma_wait3A_129 = tpu.memref_slice %arg2[%mul3A_2] : memref<2097152xf32, #tpu.memory_space<hbm>> -> memref<65536xf32, #tpu.memory_space<hbm>>
      tpu.wait_dma2 semaphore(%run_scoped3A_127 : memref<!tpu.dma_semaphore, #tpu.memory_space<semaphore_mem>>) src(%dma_wait3A_129 : memref<65536xf32, #tpu.memory_space<hbm>>) dst(%arg5 : memref<65536xf32, #tpu.memory_space<vmem>>)
      tpu.yield
    }) : () -> ()
    %scan3A_36 = arith.constant 0 : i32
    %scan3A_37 = arith.constant 0 : i32
    %scan3A_38 = arith.constant 224 : i32
    %scan3A_39 = arith.addi %scan3A_37, %scan3A_38 : i32
    %scan3A_40 = arith.constant 1 : i32
    scf.for %scan3A_127 = %scan3A_37 to %scan3A_39 step %scan3A_40  : i32 {
      %mul3A_128 = arith.constant 16 : i32
      %mul3A_129 = arith.muli %scan3A_127, %mul3A_128 : i32
      %get3A = arith.index_cast %mul3A_129 : i32 to index
      %get3A_130 = tpu.vector_load %arg6[%get3A] {strides = array<i32>} : memref<3584xi32, #tpu.memory_space<vmem>>, vector<16xi32>,
      %gather3A = tpu.vector_load_idx %arg5[%get3A_130] : memref<65536xf32, #tpu.memory_space<vmem>>[vector<16xi32>], vector<16xf32>,
      %convert_element_type3A = arith.fptosi %gather3A : vector<16xf32> to vector<16xi32>
      %shift_right_arithmetic3A = arith.constant 2 : i32
      %shift_right_arithmetic3A_131 = vector.broadcast %shift_right_arithmetic3A : i32 to vector<16xi32>
      %shift_right_arithmetic3A_132 = arith.shrsi %convert_element_type3A, %shift_right_arithmetic3A_131 : vector<16xi32>
      %eq3A = arith.constant 5 : i32
      %eq3A_133 = vector.broadcast %eq3A : i32 to vector<16xi32>
      %eq3A_134 = arith.cmpi eq, %shift_right_arithmetic3A_132, %eq3A_133 : vector<16xi32>
      %jit3A = arith.constant 1.000000e+00 : f32
      %jit3A_135 = arith.constant 0.000000e+00 : f32
      %broadcast_in_dim3A = vector.broadcast %jit3A : f32 to vector<16xf32>
      %broadcast_in_dim3A_136 = vector.broadcast %jit3A_135 : f32 to vector<16xf32>
      %select_n3A = arith.select %eq3A_134, %broadcast_in_dim3A, %broadcast_in_dim3A_136 : vector<16xi1>, vector<16xf32>
      tpu.vector_store_idx %arg5[%get3A_130], %select_n3A : memref<65536xf32, #tpu.memory_space<vmem>>[vector<16xi32>], vector<16xf32>,
    }
    %scan3A_41 = arith.constant 224 : i32
    %run_scoped3A_42 = arith.constant 5 : i32
    "tpu.region"() ({
      %run_scoped3A_127 = tpu.sem_alloc : memref<!tpu.dma_semaphore, #tpu.memory_space<semaphore_mem>>
      %dma_start3A = tpu.memref_slice %arg4[%run_scoped3A_42, %mul3A_2] : memref<18x2097152xf32, #tpu.memory_space<hbm>> -> memref<1x65536xf32, #tpu.memory_space<hbm>>
      %dma_start3A_128 = tpu.memref_squeeze %dma_start3A : memref<1x65536xf32, #tpu.memory_space<hbm>> -> memref<65536xf32, #tpu.memory_space<hbm>>
      %dma_start3A_129 = tpu.memref_slice %arg4[%run_scoped3A_42, %mul3A_2] : memref<18x2097152xf32, #tpu.memory_space<hbm>> -> memref<1x65536xf32, #tpu.memory_space<hbm>>
      %dma_start3A_130 = tpu.memref_squeeze %dma_start3A_129 : memref<1x65536xf32, #tpu.memory_space<hbm>> -> memref<65536xf32, #tpu.memory_space<hbm>>
      tpu.enqueue_dma source(%arg5 : memref<65536xf32, #tpu.memory_space<vmem>>) target(%dma_start3A_130 : memref<65536xf32, #tpu.memory_space<hbm>>) target_semaphore(%run_scoped3A_127 : memref<!tpu.dma_semaphore, #tpu.memory_space<semaphore_mem>>)
      %dma_wait3A = tpu.memref_slice %arg4[%run_scoped3A_42, %mul3A_2] : memref<18x2097152xf32, #tpu.memory_space<hbm>> -> memref<1x65536xf32, #tpu.memory_space<hbm>>
      %dma_wait3A_131 = tpu.memref_squeeze %dma_wait3A : memref<1x65536xf32, #tpu.memory_space<hbm>> -> memref<65536xf32, #tpu.memory_space<hbm>>
      %dma_wait3A_132 = tpu.memref_slice %arg4[%run_scoped3A_42, %mul3A_2] : memref<18x2097152xf32, #tpu.memory_space<hbm>> -> memref<1x65536xf32, #tpu.memory_space<hbm>>
      %dma_wait3A_133 = tpu.memref_squeeze %dma_wait3A_132 : memref<1x65536xf32, #tpu.memory_space<hbm>> -> memref<65536xf32, #tpu.memory_space<hbm>>
      tpu.wait_dma2 semaphore(%run_scoped3A_127 : memref<!tpu.dma_semaphore, #tpu.memory_space<semaphore_mem>>) src(%arg5 : memref<65536xf32, #tpu.memory_space<vmem>>) dst(%dma_wait3A_133 : memref<65536xf32, #tpu.memory_space<hbm>>)
      tpu.yield
    }) : () -> ()
    "tpu.region"() ({
      %run_scoped3A_127 = tpu.sem_alloc : memref<!tpu.dma_semaphore, #tpu.memory_space<semaphore_mem>>
      %dma_start3A = tpu.memref_slice %arg2[%mul3A_2] : memref<2097152xf32, #tpu.memory_space<hbm>> -> memref<65536xf32, #tpu.memory_space<hbm>>
      %dma_start3A_128 = tpu.memref_slice %arg2[%mul3A_2] : memref<2097152xf32, #tpu.memory_space<hbm>> -> memref<65536xf32, #tpu.memory_space<hbm>>
      tpu.enqueue_dma source(%dma_start3A_128 : memref<65536xf32, #tpu.memory_space<hbm>>) target(%arg5 : memref<65536xf32, #tpu.memory_space<vmem>>) target_semaphore(%run_scoped3A_127 : memref<!tpu.dma_semaphore, #tpu.memory_space<semaphore_mem>>)
      %dma_wait3A = tpu.memref_slice %arg2[%mul3A_2] : memref<2097152xf32, #tpu.memory_space<hbm>> -> memref<65536xf32, #tpu.memory_space<hbm>>
      %dma_wait3A_129 = tpu.memref_slice %arg2[%mul3A_2] : memref<2097152xf32, #tpu.memory_space<hbm>> -> memref<65536xf32, #tpu.memory_space<hbm>>
      tpu.wait_dma2 semaphore(%run_scoped3A_127 : memref<!tpu.dma_semaphore, #tpu.memory_space<semaphore_mem>>) src(%dma_wait3A_129 : memref<65536xf32, #tpu.memory_space<hbm>>) dst(%arg5 : memref<65536xf32, #tpu.memory_space<vmem>>)
      tpu.yield
    }) : () -> ()
    %scan3A_43 = arith.constant 0 : i32
    %scan3A_44 = arith.constant 0 : i32
    %scan3A_45 = arith.constant 224 : i32
    %scan3A_46 = arith.addi %scan3A_44, %scan3A_45 : i32
    %scan3A_47 = arith.constant 1 : i32
    scf.for %scan3A_127 = %scan3A_44 to %scan3A_46 step %scan3A_47  : i32 {
      %mul3A_128 = arith.constant 16 : i32
      %mul3A_129 = arith.muli %scan3A_127, %mul3A_128 : i32
      %get3A = arith.index_cast %mul3A_129 : i32 to index
      %get3A_130 = tpu.vector_load %arg6[%get3A] {strides = array<i32>} : memref<3584xi32, #tpu.memory_space<vmem>>, vector<16xi32>,
      %gather3A = tpu.vector_load_idx %arg5[%get3A_130] : memref<65536xf32, #tpu.memory_space<vmem>>[vector<16xi32>], vector<16xf32>,
      %convert_element_type3A = arith.fptosi %gather3A : vector<16xf32> to vector<16xi32>
      %shift_right_arithmetic3A = arith.constant 2 : i32
      %shift_right_arithmetic3A_131 = vector.broadcast %shift_right_arithmetic3A : i32 to vector<16xi32>
      %shift_right_arithmetic3A_132 = arith.shrsi %convert_element_type3A, %shift_right_arithmetic3A_131 : vector<16xi32>
      %eq3A = arith.constant 6 : i32
      %eq3A_133 = vector.broadcast %eq3A : i32 to vector<16xi32>
      %eq3A_134 = arith.cmpi eq, %shift_right_arithmetic3A_132, %eq3A_133 : vector<16xi32>
      %jit3A = arith.constant 1.000000e+00 : f32
      %jit3A_135 = arith.constant 0.000000e+00 : f32
      %broadcast_in_dim3A = vector.broadcast %jit3A : f32 to vector<16xf32>
      %broadcast_in_dim3A_136 = vector.broadcast %jit3A_135 : f32 to vector<16xf32>
      %select_n3A = arith.select %eq3A_134, %broadcast_in_dim3A, %broadcast_in_dim3A_136 : vector<16xi1>, vector<16xf32>
      tpu.vector_store_idx %arg5[%get3A_130], %select_n3A : memref<65536xf32, #tpu.memory_space<vmem>>[vector<16xi32>], vector<16xf32>,
    }
    %scan3A_48 = arith.constant 224 : i32
    %run_scoped3A_49 = arith.constant 6 : i32
    "tpu.region"() ({
      %run_scoped3A_127 = tpu.sem_alloc : memref<!tpu.dma_semaphore, #tpu.memory_space<semaphore_mem>>
      %dma_start3A = tpu.memref_slice %arg4[%run_scoped3A_49, %mul3A_2] : memref<18x2097152xf32, #tpu.memory_space<hbm>> -> memref<1x65536xf32, #tpu.memory_space<hbm>>
      %dma_start3A_128 = tpu.memref_squeeze %dma_start3A : memref<1x65536xf32, #tpu.memory_space<hbm>> -> memref<65536xf32, #tpu.memory_space<hbm>>
      %dma_start3A_129 = tpu.memref_slice %arg4[%run_scoped3A_49, %mul3A_2] : memref<18x2097152xf32, #tpu.memory_space<hbm>> -> memref<1x65536xf32, #tpu.memory_space<hbm>>
      %dma_start3A_130 = tpu.memref_squeeze %dma_start3A_129 : memref<1x65536xf32, #tpu.memory_space<hbm>> -> memref<65536xf32, #tpu.memory_space<hbm>>
      tpu.enqueue_dma source(%arg5 : memref<65536xf32, #tpu.memory_space<vmem>>) target(%dma_start3A_130 : memref<65536xf32, #tpu.memory_space<hbm>>) target_semaphore(%run_scoped3A_127 : memref<!tpu.dma_semaphore, #tpu.memory_space<semaphore_mem>>)
      %dma_wait3A = tpu.memref_slice %arg4[%run_scoped3A_49, %mul3A_2] : memref<18x2097152xf32, #tpu.memory_space<hbm>> -> memref<1x65536xf32, #tpu.memory_space<hbm>>
      %dma_wait3A_131 = tpu.memref_squeeze %dma_wait3A : memref<1x65536xf32, #tpu.memory_space<hbm>> -> memref<65536xf32, #tpu.memory_space<hbm>>
      %dma_wait3A_132 = tpu.memref_slice %arg4[%run_scoped3A_49, %mul3A_2] : memref<18x2097152xf32, #tpu.memory_space<hbm>> -> memref<1x65536xf32, #tpu.memory_space<hbm>>
      %dma_wait3A_133 = tpu.memref_squeeze %dma_wait3A_132 : memref<1x65536xf32, #tpu.memory_space<hbm>> -> memref<65536xf32, #tpu.memory_space<hbm>>
      tpu.wait_dma2 semaphore(%run_scoped3A_127 : memref<!tpu.dma_semaphore, #tpu.memory_space<semaphore_mem>>) src(%arg5 : memref<65536xf32, #tpu.memory_space<vmem>>) dst(%dma_wait3A_133 : memref<65536xf32, #tpu.memory_space<hbm>>)
      tpu.yield
    }) : () -> ()
    "tpu.region"() ({
      %run_scoped3A_127 = tpu.sem_alloc : memref<!tpu.dma_semaphore, #tpu.memory_space<semaphore_mem>>
      %dma_start3A = tpu.memref_slice %arg2[%mul3A_2] : memref<2097152xf32, #tpu.memory_space<hbm>> -> memref<65536xf32, #tpu.memory_space<hbm>>
      %dma_start3A_128 = tpu.memref_slice %arg2[%mul3A_2] : memref<2097152xf32, #tpu.memory_space<hbm>> -> memref<65536xf32, #tpu.memory_space<hbm>>
      tpu.enqueue_dma source(%dma_start3A_128 : memref<65536xf32, #tpu.memory_space<hbm>>) target(%arg5 : memref<65536xf32, #tpu.memory_space<vmem>>) target_semaphore(%run_scoped3A_127 : memref<!tpu.dma_semaphore, #tpu.memory_space<semaphore_mem>>)
      %dma_wait3A = tpu.memref_slice %arg2[%mul3A_2] : memref<2097152xf32, #tpu.memory_space<hbm>> -> memref<65536xf32, #tpu.memory_space<hbm>>
      %dma_wait3A_129 = tpu.memref_slice %arg2[%mul3A_2] : memref<2097152xf32, #tpu.memory_space<hbm>> -> memref<65536xf32, #tpu.memory_space<hbm>>
      tpu.wait_dma2 semaphore(%run_scoped3A_127 : memref<!tpu.dma_semaphore, #tpu.memory_space<semaphore_mem>>) src(%dma_wait3A_129 : memref<65536xf32, #tpu.memory_space<hbm>>) dst(%arg5 : memref<65536xf32, #tpu.memory_space<vmem>>)
      tpu.yield
    }) : () -> ()
    %scan3A_50 = arith.constant 0 : i32
    %scan3A_51 = arith.constant 0 : i32
    %scan3A_52 = arith.constant 224 : i32
    %scan3A_53 = arith.addi %scan3A_51, %scan3A_52 : i32
    %scan3A_54 = arith.constant 1 : i32
    scf.for %scan3A_127 = %scan3A_51 to %scan3A_53 step %scan3A_54  : i32 {
      %mul3A_128 = arith.constant 16 : i32
      %mul3A_129 = arith.muli %scan3A_127, %mul3A_128 : i32
      %get3A = arith.index_cast %mul3A_129 : i32 to index
      %get3A_130 = tpu.vector_load %arg6[%get3A] {strides = array<i32>} : memref<3584xi32, #tpu.memory_space<vmem>>, vector<16xi32>,
      %gather3A = tpu.vector_load_idx %arg5[%get3A_130] : memref<65536xf32, #tpu.memory_space<vmem>>[vector<16xi32>], vector<16xf32>,
      %convert_element_type3A = arith.fptosi %gather3A : vector<16xf32> to vector<16xi32>
      %shift_right_arithmetic3A = arith.constant 2 : i32
      %shift_right_arithmetic3A_131 = vector.broadcast %shift_right_arithmetic3A : i32 to vector<16xi32>
      %shift_right_arithmetic3A_132 = arith.shrsi %convert_element_type3A, %shift_right_arithmetic3A_131 : vector<16xi32>
      %eq3A = arith.constant 7 : i32
      %eq3A_133 = vector.broadcast %eq3A : i32 to vector<16xi32>
      %eq3A_134 = arith.cmpi eq, %shift_right_arithmetic3A_132, %eq3A_133 : vector<16xi32>
      %jit3A = arith.constant 1.000000e+00 : f32
      %jit3A_135 = arith.constant 0.000000e+00 : f32
      %broadcast_in_dim3A = vector.broadcast %jit3A : f32 to vector<16xf32>
      %broadcast_in_dim3A_136 = vector.broadcast %jit3A_135 : f32 to vector<16xf32>
      %select_n3A = arith.select %eq3A_134, %broadcast_in_dim3A, %broadcast_in_dim3A_136 : vector<16xi1>, vector<16xf32>
      tpu.vector_store_idx %arg5[%get3A_130], %select_n3A : memref<65536xf32, #tpu.memory_space<vmem>>[vector<16xi32>], vector<16xf32>,
    }
    %scan3A_55 = arith.constant 224 : i32
    %run_scoped3A_56 = arith.constant 7 : i32
    "tpu.region"() ({
      %run_scoped3A_127 = tpu.sem_alloc : memref<!tpu.dma_semaphore, #tpu.memory_space<semaphore_mem>>
      %dma_start3A = tpu.memref_slice %arg4[%run_scoped3A_56, %mul3A_2] : memref<18x2097152xf32, #tpu.memory_space<hbm>> -> memref<1x65536xf32, #tpu.memory_space<hbm>>
      %dma_start3A_128 = tpu.memref_squeeze %dma_start3A : memref<1x65536xf32, #tpu.memory_space<hbm>> -> memref<65536xf32, #tpu.memory_space<hbm>>
      %dma_start3A_129 = tpu.memref_slice %arg4[%run_scoped3A_56, %mul3A_2] : memref<18x2097152xf32, #tpu.memory_space<hbm>> -> memref<1x65536xf32, #tpu.memory_space<hbm>>
      %dma_start3A_130 = tpu.memref_squeeze %dma_start3A_129 : memref<1x65536xf32, #tpu.memory_space<hbm>> -> memref<65536xf32, #tpu.memory_space<hbm>>
      tpu.enqueue_dma source(%arg5 : memref<65536xf32, #tpu.memory_space<vmem>>) target(%dma_start3A_130 : memref<65536xf32, #tpu.memory_space<hbm>>) target_semaphore(%run_scoped3A_127 : memref<!tpu.dma_semaphore, #tpu.memory_space<semaphore_mem>>)
      %dma_wait3A = tpu.memref_slice %arg4[%run_scoped3A_56, %mul3A_2] : memref<18x2097152xf32, #tpu.memory_space<hbm>> -> memref<1x65536xf32, #tpu.memory_space<hbm>>
      %dma_wait3A_131 = tpu.memref_squeeze %dma_wait3A : memref<1x65536xf32, #tpu.memory_space<hbm>> -> memref<65536xf32, #tpu.memory_space<hbm>>
      %dma_wait3A_132 = tpu.memref_slice %arg4[%run_scoped3A_56, %mul3A_2] : memref<18x2097152xf32, #tpu.memory_space<hbm>> -> memref<1x65536xf32, #tpu.memory_space<hbm>>
      %dma_wait3A_133 = tpu.memref_squeeze %dma_wait3A_132 : memref<1x65536xf32, #tpu.memory_space<hbm>> -> memref<65536xf32, #tpu.memory_space<hbm>>
      tpu.wait_dma2 semaphore(%run_scoped3A_127 : memref<!tpu.dma_semaphore, #tpu.memory_space<semaphore_mem>>) src(%arg5 : memref<65536xf32, #tpu.memory_space<vmem>>) dst(%dma_wait3A_133 : memref<65536xf32, #tpu.memory_space<hbm>>)
      tpu.yield
    }) : () -> ()
    "tpu.region"() ({
      %run_scoped3A_127 = tpu.sem_alloc : memref<!tpu.dma_semaphore, #tpu.memory_space<semaphore_mem>>
      %dma_start3A = tpu.memref_slice %arg2[%mul3A_2] : memref<2097152xf32, #tpu.memory_space<hbm>> -> memref<65536xf32, #tpu.memory_space<hbm>>
      %dma_start3A_128 = tpu.memref_slice %arg2[%mul3A_2] : memref<2097152xf32, #tpu.memory_space<hbm>> -> memref<65536xf32, #tpu.memory_space<hbm>>
      tpu.enqueue_dma source(%dma_start3A_128 : memref<65536xf32, #tpu.memory_space<hbm>>) target(%arg5 : memref<65536xf32, #tpu.memory_space<vmem>>) target_semaphore(%run_scoped3A_127 : memref<!tpu.dma_semaphore, #tpu.memory_space<semaphore_mem>>)
      %dma_wait3A = tpu.memref_slice %arg2[%mul3A_2] : memref<2097152xf32, #tpu.memory_space<hbm>> -> memref<65536xf32, #tpu.memory_space<hbm>>
      %dma_wait3A_129 = tpu.memref_slice %arg2[%mul3A_2] : memref<2097152xf32, #tpu.memory_space<hbm>> -> memref<65536xf32, #tpu.memory_space<hbm>>
      tpu.wait_dma2 semaphore(%run_scoped3A_127 : memref<!tpu.dma_semaphore, #tpu.memory_space<semaphore_mem>>) src(%dma_wait3A_129 : memref<65536xf32, #tpu.memory_space<hbm>>) dst(%arg5 : memref<65536xf32, #tpu.memory_space<vmem>>)
      tpu.yield
    }) : () -> ()
    %scan3A_57 = arith.constant 0 : i32
    %scan3A_58 = arith.constant 0 : i32
    %scan3A_59 = arith.constant 224 : i32
    %scan3A_60 = arith.addi %scan3A_58, %scan3A_59 : i32
    %scan3A_61 = arith.constant 1 : i32
    scf.for %scan3A_127 = %scan3A_58 to %scan3A_60 step %scan3A_61  : i32 {
      %mul3A_128 = arith.constant 16 : i32
      %mul3A_129 = arith.muli %scan3A_127, %mul3A_128 : i32
      %get3A = arith.index_cast %mul3A_129 : i32 to index
      %get3A_130 = tpu.vector_load %arg6[%get3A] {strides = array<i32>} : memref<3584xi32, #tpu.memory_space<vmem>>, vector<16xi32>,
      %gather3A = tpu.vector_load_idx %arg5[%get3A_130] : memref<65536xf32, #tpu.memory_space<vmem>>[vector<16xi32>], vector<16xf32>,
      %convert_element_type3A = arith.fptosi %gather3A : vector<16xf32> to vector<16xi32>
      %shift_right_arithmetic3A = arith.constant 2 : i32
      %shift_right_arithmetic3A_131 = vector.broadcast %shift_right_arithmetic3A : i32 to vector<16xi32>
      %shift_right_arithmetic3A_132 = arith.shrsi %convert_element_type3A, %shift_right_arithmetic3A_131 : vector<16xi32>
      %eq3A = arith.constant 8 : i32
      %eq3A_133 = vector.broadcast %eq3A : i32 to vector<16xi32>
      %eq3A_134 = arith.cmpi eq, %shift_right_arithmetic3A_132, %eq3A_133 : vector<16xi32>
      %jit3A = arith.constant 1.000000e+00 : f32
      %jit3A_135 = arith.constant 0.000000e+00 : f32
      %broadcast_in_dim3A = vector.broadcast %jit3A : f32 to vector<16xf32>
      %broadcast_in_dim3A_136 = vector.broadcast %jit3A_135 : f32 to vector<16xf32>
      %select_n3A = arith.select %eq3A_134, %broadcast_in_dim3A, %broadcast_in_dim3A_136 : vector<16xi1>, vector<16xf32>
      tpu.vector_store_idx %arg5[%get3A_130], %select_n3A : memref<65536xf32, #tpu.memory_space<vmem>>[vector<16xi32>], vector<16xf32>,
    }
    %scan3A_62 = arith.constant 224 : i32
    %run_scoped3A_63 = arith.constant 8 : i32
    "tpu.region"() ({
      %run_scoped3A_127 = tpu.sem_alloc : memref<!tpu.dma_semaphore, #tpu.memory_space<semaphore_mem>>
      %dma_start3A = tpu.memref_slice %arg4[%run_scoped3A_63, %mul3A_2] : memref<18x2097152xf32, #tpu.memory_space<hbm>> -> memref<1x65536xf32, #tpu.memory_space<hbm>>
      %dma_start3A_128 = tpu.memref_squeeze %dma_start3A : memref<1x65536xf32, #tpu.memory_space<hbm>> -> memref<65536xf32, #tpu.memory_space<hbm>>
      %dma_start3A_129 = tpu.memref_slice %arg4[%run_scoped3A_63, %mul3A_2] : memref<18x2097152xf32, #tpu.memory_space<hbm>> -> memref<1x65536xf32, #tpu.memory_space<hbm>>
      %dma_start3A_130 = tpu.memref_squeeze %dma_start3A_129 : memref<1x65536xf32, #tpu.memory_space<hbm>> -> memref<65536xf32, #tpu.memory_space<hbm>>
      tpu.enqueue_dma source(%arg5 : memref<65536xf32, #tpu.memory_space<vmem>>) target(%dma_start3A_130 : memref<65536xf32, #tpu.memory_space<hbm>>) target_semaphore(%run_scoped3A_127 : memref<!tpu.dma_semaphore, #tpu.memory_space<semaphore_mem>>)
      %dma_wait3A = tpu.memref_slice %arg4[%run_scoped3A_63, %mul3A_2] : memref<18x2097152xf32, #tpu.memory_space<hbm>> -> memref<1x65536xf32, #tpu.memory_space<hbm>>
      %dma_wait3A_131 = tpu.memref_squeeze %dma_wait3A : memref<1x65536xf32, #tpu.memory_space<hbm>> -> memref<65536xf32, #tpu.memory_space<hbm>>
      %dma_wait3A_132 = tpu.memref_slice %arg4[%run_scoped3A_63, %mul3A_2] : memref<18x2097152xf32, #tpu.memory_space<hbm>> -> memref<1x65536xf32, #tpu.memory_space<hbm>>
      %dma_wait3A_133 = tpu.memref_squeeze %dma_wait3A_132 : memref<1x65536xf32, #tpu.memory_space<hbm>> -> memref<65536xf32, #tpu.memory_space<hbm>>
      tpu.wait_dma2 semaphore(%run_scoped3A_127 : memref<!tpu.dma_semaphore, #tpu.memory_space<semaphore_mem>>) src(%arg5 : memref<65536xf32, #tpu.memory_space<vmem>>) dst(%dma_wait3A_133 : memref<65536xf32, #tpu.memory_space<hbm>>)
      tpu.yield
    }) : () -> ()
    "tpu.region"() ({
      %run_scoped3A_127 = tpu.sem_alloc : memref<!tpu.dma_semaphore, #tpu.memory_space<semaphore_mem>>
      %dma_start3A = tpu.memref_slice %arg2[%mul3A_2] : memref<2097152xf32, #tpu.memory_space<hbm>> -> memref<65536xf32, #tpu.memory_space<hbm>>
      %dma_start3A_128 = tpu.memref_slice %arg2[%mul3A_2] : memref<2097152xf32, #tpu.memory_space<hbm>> -> memref<65536xf32, #tpu.memory_space<hbm>>
      tpu.enqueue_dma source(%dma_start3A_128 : memref<65536xf32, #tpu.memory_space<hbm>>) target(%arg5 : memref<65536xf32, #tpu.memory_space<vmem>>) target_semaphore(%run_scoped3A_127 : memref<!tpu.dma_semaphore, #tpu.memory_space<semaphore_mem>>)
      %dma_wait3A = tpu.memref_slice %arg2[%mul3A_2] : memref<2097152xf32, #tpu.memory_space<hbm>> -> memref<65536xf32, #tpu.memory_space<hbm>>
      %dma_wait3A_129 = tpu.memref_slice %arg2[%mul3A_2] : memref<2097152xf32, #tpu.memory_space<hbm>> -> memref<65536xf32, #tpu.memory_space<hbm>>
      tpu.wait_dma2 semaphore(%run_scoped3A_127 : memref<!tpu.dma_semaphore, #tpu.memory_space<semaphore_mem>>) src(%dma_wait3A_129 : memref<65536xf32, #tpu.memory_space<hbm>>) dst(%arg5 : memref<65536xf32, #tpu.memory_space<vmem>>)
      tpu.yield
    }) : () -> ()
    %scan3A_64 = arith.constant 0 : i32
    %scan3A_65 = arith.constant 0 : i32
    %scan3A_66 = arith.constant 224 : i32
    %scan3A_67 = arith.addi %scan3A_65, %scan3A_66 : i32
    %scan3A_68 = arith.constant 1 : i32
    scf.for %scan3A_127 = %scan3A_65 to %scan3A_67 step %scan3A_68  : i32 {
      %mul3A_128 = arith.constant 16 : i32
      %mul3A_129 = arith.muli %scan3A_127, %mul3A_128 : i32
      %get3A = arith.index_cast %mul3A_129 : i32 to index
      %get3A_130 = tpu.vector_load %arg6[%get3A] {strides = array<i32>} : memref<3584xi32, #tpu.memory_space<vmem>>, vector<16xi32>,
      %gather3A = tpu.vector_load_idx %arg5[%get3A_130] : memref<65536xf32, #tpu.memory_space<vmem>>[vector<16xi32>], vector<16xf32>,
      %convert_element_type3A = arith.fptosi %gather3A : vector<16xf32> to vector<16xi32>
      %shift_right_arithmetic3A = arith.constant 2 : i32
      %shift_right_arithmetic3A_131 = vector.broadcast %shift_right_arithmetic3A : i32 to vector<16xi32>
      %shift_right_arithmetic3A_132 = arith.shrsi %convert_element_type3A, %shift_right_arithmetic3A_131 : vector<16xi32>
      %eq3A = arith.constant 9 : i32
      %eq3A_133 = vector.broadcast %eq3A : i32 to vector<16xi32>
      %eq3A_134 = arith.cmpi eq, %shift_right_arithmetic3A_132, %eq3A_133 : vector<16xi32>
      %jit3A = arith.constant 1.000000e+00 : f32
      %jit3A_135 = arith.constant 0.000000e+00 : f32
      %broadcast_in_dim3A = vector.broadcast %jit3A : f32 to vector<16xf32>
      %broadcast_in_dim3A_136 = vector.broadcast %jit3A_135 : f32 to vector<16xf32>
      %select_n3A = arith.select %eq3A_134, %broadcast_in_dim3A, %broadcast_in_dim3A_136 : vector<16xi1>, vector<16xf32>
      tpu.vector_store_idx %arg5[%get3A_130], %select_n3A : memref<65536xf32, #tpu.memory_space<vmem>>[vector<16xi32>], vector<16xf32>,
    }
    %scan3A_69 = arith.constant 224 : i32
    %run_scoped3A_70 = arith.constant 9 : i32
    "tpu.region"() ({
      %run_scoped3A_127 = tpu.sem_alloc : memref<!tpu.dma_semaphore, #tpu.memory_space<semaphore_mem>>
      %dma_start3A = tpu.memref_slice %arg4[%run_scoped3A_70, %mul3A_2] : memref<18x2097152xf32, #tpu.memory_space<hbm>> -> memref<1x65536xf32, #tpu.memory_space<hbm>>
      %dma_start3A_128 = tpu.memref_squeeze %dma_start3A : memref<1x65536xf32, #tpu.memory_space<hbm>> -> memref<65536xf32, #tpu.memory_space<hbm>>
      %dma_start3A_129 = tpu.memref_slice %arg4[%run_scoped3A_70, %mul3A_2] : memref<18x2097152xf32, #tpu.memory_space<hbm>> -> memref<1x65536xf32, #tpu.memory_space<hbm>>
      %dma_start3A_130 = tpu.memref_squeeze %dma_start3A_129 : memref<1x65536xf32, #tpu.memory_space<hbm>> -> memref<65536xf32, #tpu.memory_space<hbm>>
      tpu.enqueue_dma source(%arg5 : memref<65536xf32, #tpu.memory_space<vmem>>) target(%dma_start3A_130 : memref<65536xf32, #tpu.memory_space<hbm>>) target_semaphore(%run_scoped3A_127 : memref<!tpu.dma_semaphore, #tpu.memory_space<semaphore_mem>>)
      %dma_wait3A = tpu.memref_slice %arg4[%run_scoped3A_70, %mul3A_2] : memref<18x2097152xf32, #tpu.memory_space<hbm>> -> memref<1x65536xf32, #tpu.memory_space<hbm>>
      %dma_wait3A_131 = tpu.memref_squeeze %dma_wait3A : memref<1x65536xf32, #tpu.memory_space<hbm>> -> memref<65536xf32, #tpu.memory_space<hbm>>
      %dma_wait3A_132 = tpu.memref_slice %arg4[%run_scoped3A_70, %mul3A_2] : memref<18x2097152xf32, #tpu.memory_space<hbm>> -> memref<1x65536xf32, #tpu.memory_space<hbm>>
      %dma_wait3A_133 = tpu.memref_squeeze %dma_wait3A_132 : memref<1x65536xf32, #tpu.memory_space<hbm>> -> memref<65536xf32, #tpu.memory_space<hbm>>
      tpu.wait_dma2 semaphore(%run_scoped3A_127 : memref<!tpu.dma_semaphore, #tpu.memory_space<semaphore_mem>>) src(%arg5 : memref<65536xf32, #tpu.memory_space<vmem>>) dst(%dma_wait3A_133 : memref<65536xf32, #tpu.memory_space<hbm>>)
      tpu.yield
    }) : () -> ()
    "tpu.region"() ({
      %run_scoped3A_127 = tpu.sem_alloc : memref<!tpu.dma_semaphore, #tpu.memory_space<semaphore_mem>>
      %dma_start3A = tpu.memref_slice %arg2[%mul3A_2] : memref<2097152xf32, #tpu.memory_space<hbm>> -> memref<65536xf32, #tpu.memory_space<hbm>>
      %dma_start3A_128 = tpu.memref_slice %arg2[%mul3A_2] : memref<2097152xf32, #tpu.memory_space<hbm>> -> memref<65536xf32, #tpu.memory_space<hbm>>
      tpu.enqueue_dma source(%dma_start3A_128 : memref<65536xf32, #tpu.memory_space<hbm>>) target(%arg5 : memref<65536xf32, #tpu.memory_space<vmem>>) target_semaphore(%run_scoped3A_127 : memref<!tpu.dma_semaphore, #tpu.memory_space<semaphore_mem>>)
      %dma_wait3A = tpu.memref_slice %arg2[%mul3A_2] : memref<2097152xf32, #tpu.memory_space<hbm>> -> memref<65536xf32, #tpu.memory_space<hbm>>
      %dma_wait3A_129 = tpu.memref_slice %arg2[%mul3A_2] : memref<2097152xf32, #tpu.memory_space<hbm>> -> memref<65536xf32, #tpu.memory_space<hbm>>
      tpu.wait_dma2 semaphore(%run_scoped3A_127 : memref<!tpu.dma_semaphore, #tpu.memory_space<semaphore_mem>>) src(%dma_wait3A_129 : memref<65536xf32, #tpu.memory_space<hbm>>) dst(%arg5 : memref<65536xf32, #tpu.memory_space<vmem>>)
      tpu.yield
    }) : () -> ()
    %scan3A_71 = arith.constant 0 : i32
    %scan3A_72 = arith.constant 0 : i32
    %scan3A_73 = arith.constant 224 : i32
    %scan3A_74 = arith.addi %scan3A_72, %scan3A_73 : i32
    %scan3A_75 = arith.constant 1 : i32
    scf.for %scan3A_127 = %scan3A_72 to %scan3A_74 step %scan3A_75  : i32 {
      %mul3A_128 = arith.constant 16 : i32
      %mul3A_129 = arith.muli %scan3A_127, %mul3A_128 : i32
      %get3A = arith.index_cast %mul3A_129 : i32 to index
      %get3A_130 = tpu.vector_load %arg6[%get3A] {strides = array<i32>} : memref<3584xi32, #tpu.memory_space<vmem>>, vector<16xi32>,
      %gather3A = tpu.vector_load_idx %arg5[%get3A_130] : memref<65536xf32, #tpu.memory_space<vmem>>[vector<16xi32>], vector<16xf32>,
      %convert_element_type3A = arith.fptosi %gather3A : vector<16xf32> to vector<16xi32>
      %shift_right_arithmetic3A = arith.constant 2 : i32
      %shift_right_arithmetic3A_131 = vector.broadcast %shift_right_arithmetic3A : i32 to vector<16xi32>
      %shift_right_arithmetic3A_132 = arith.shrsi %convert_element_type3A, %shift_right_arithmetic3A_131 : vector<16xi32>
      %eq3A = arith.constant 10 : i32
      %eq3A_133 = vector.broadcast %eq3A : i32 to vector<16xi32>
      %eq3A_134 = arith.cmpi eq, %shift_right_arithmetic3A_132, %eq3A_133 : vector<16xi32>
      %jit3A = arith.constant 1.000000e+00 : f32
      %jit3A_135 = arith.constant 0.000000e+00 : f32
      %broadcast_in_dim3A = vector.broadcast %jit3A : f32 to vector<16xf32>
      %broadcast_in_dim3A_136 = vector.broadcast %jit3A_135 : f32 to vector<16xf32>
      %select_n3A = arith.select %eq3A_134, %broadcast_in_dim3A, %broadcast_in_dim3A_136 : vector<16xi1>, vector<16xf32>
      tpu.vector_store_idx %arg5[%get3A_130], %select_n3A : memref<65536xf32, #tpu.memory_space<vmem>>[vector<16xi32>], vector<16xf32>,
    }
    %scan3A_76 = arith.constant 224 : i32
    %run_scoped3A_77 = arith.constant 10 : i32
    "tpu.region"() ({
      %run_scoped3A_127 = tpu.sem_alloc : memref<!tpu.dma_semaphore, #tpu.memory_space<semaphore_mem>>
      %dma_start3A = tpu.memref_slice %arg4[%run_scoped3A_77, %mul3A_2] : memref<18x2097152xf32, #tpu.memory_space<hbm>> -> memref<1x65536xf32, #tpu.memory_space<hbm>>
      %dma_start3A_128 = tpu.memref_squeeze %dma_start3A : memref<1x65536xf32, #tpu.memory_space<hbm>> -> memref<65536xf32, #tpu.memory_space<hbm>>
      %dma_start3A_129 = tpu.memref_slice %arg4[%run_scoped3A_77, %mul3A_2] : memref<18x2097152xf32, #tpu.memory_space<hbm>> -> memref<1x65536xf32, #tpu.memory_space<hbm>>
      %dma_start3A_130 = tpu.memref_squeeze %dma_start3A_129 : memref<1x65536xf32, #tpu.memory_space<hbm>> -> memref<65536xf32, #tpu.memory_space<hbm>>
      tpu.enqueue_dma source(%arg5 : memref<65536xf32, #tpu.memory_space<vmem>>) target(%dma_start3A_130 : memref<65536xf32, #tpu.memory_space<hbm>>) target_semaphore(%run_scoped3A_127 : memref<!tpu.dma_semaphore, #tpu.memory_space<semaphore_mem>>)
      %dma_wait3A = tpu.memref_slice %arg4[%run_scoped3A_77, %mul3A_2] : memref<18x2097152xf32, #tpu.memory_space<hbm>> -> memref<1x65536xf32, #tpu.memory_space<hbm>>
      %dma_wait3A_131 = tpu.memref_squeeze %dma_wait3A : memref<1x65536xf32, #tpu.memory_space<hbm>> -> memref<65536xf32, #tpu.memory_space<hbm>>
      %dma_wait3A_132 = tpu.memref_slice %arg4[%run_scoped3A_77, %mul3A_2] : memref<18x2097152xf32, #tpu.memory_space<hbm>> -> memref<1x65536xf32, #tpu.memory_space<hbm>>
      %dma_wait3A_133 = tpu.memref_squeeze %dma_wait3A_132 : memref<1x65536xf32, #tpu.memory_space<hbm>> -> memref<65536xf32, #tpu.memory_space<hbm>>
      tpu.wait_dma2 semaphore(%run_scoped3A_127 : memref<!tpu.dma_semaphore, #tpu.memory_space<semaphore_mem>>) src(%arg5 : memref<65536xf32, #tpu.memory_space<vmem>>) dst(%dma_wait3A_133 : memref<65536xf32, #tpu.memory_space<hbm>>)
      tpu.yield
    }) : () -> ()
    "tpu.region"() ({
      %run_scoped3A_127 = tpu.sem_alloc : memref<!tpu.dma_semaphore, #tpu.memory_space<semaphore_mem>>
      %dma_start3A = tpu.memref_slice %arg2[%mul3A_2] : memref<2097152xf32, #tpu.memory_space<hbm>> -> memref<65536xf32, #tpu.memory_space<hbm>>
      %dma_start3A_128 = tpu.memref_slice %arg2[%mul3A_2] : memref<2097152xf32, #tpu.memory_space<hbm>> -> memref<65536xf32, #tpu.memory_space<hbm>>
      tpu.enqueue_dma source(%dma_start3A_128 : memref<65536xf32, #tpu.memory_space<hbm>>) target(%arg5 : memref<65536xf32, #tpu.memory_space<vmem>>) target_semaphore(%run_scoped3A_127 : memref<!tpu.dma_semaphore, #tpu.memory_space<semaphore_mem>>)
      %dma_wait3A = tpu.memref_slice %arg2[%mul3A_2] : memref<2097152xf32, #tpu.memory_space<hbm>> -> memref<65536xf32, #tpu.memory_space<hbm>>
      %dma_wait3A_129 = tpu.memref_slice %arg2[%mul3A_2] : memref<2097152xf32, #tpu.memory_space<hbm>> -> memref<65536xf32, #tpu.memory_space<hbm>>
      tpu.wait_dma2 semaphore(%run_scoped3A_127 : memref<!tpu.dma_semaphore, #tpu.memory_space<semaphore_mem>>) src(%dma_wait3A_129 : memref<65536xf32, #tpu.memory_space<hbm>>) dst(%arg5 : memref<65536xf32, #tpu.memory_space<vmem>>)
      tpu.yield
    }) : () -> ()
    %scan3A_78 = arith.constant 0 : i32
    %scan3A_79 = arith.constant 0 : i32
    %scan3A_80 = arith.constant 224 : i32
    %scan3A_81 = arith.addi %scan3A_79, %scan3A_80 : i32
    %scan3A_82 = arith.constant 1 : i32
    scf.for %scan3A_127 = %scan3A_79 to %scan3A_81 step %scan3A_82  : i32 {
      %mul3A_128 = arith.constant 16 : i32
      %mul3A_129 = arith.muli %scan3A_127, %mul3A_128 : i32
      %get3A = arith.index_cast %mul3A_129 : i32 to index
      %get3A_130 = tpu.vector_load %arg6[%get3A] {strides = array<i32>} : memref<3584xi32, #tpu.memory_space<vmem>>, vector<16xi32>,
      %gather3A = tpu.vector_load_idx %arg5[%get3A_130] : memref<65536xf32, #tpu.memory_space<vmem>>[vector<16xi32>], vector<16xf32>,
      %convert_element_type3A = arith.fptosi %gather3A : vector<16xf32> to vector<16xi32>
      %shift_right_arithmetic3A = arith.constant 2 : i32
      %shift_right_arithmetic3A_131 = vector.broadcast %shift_right_arithmetic3A : i32 to vector<16xi32>
      %shift_right_arithmetic3A_132 = arith.shrsi %convert_element_type3A, %shift_right_arithmetic3A_131 : vector<16xi32>
      %eq3A = arith.constant 11 : i32
      %eq3A_133 = vector.broadcast %eq3A : i32 to vector<16xi32>
      %eq3A_134 = arith.cmpi eq, %shift_right_arithmetic3A_132, %eq3A_133 : vector<16xi32>
      %jit3A = arith.constant 1.000000e+00 : f32
      %jit3A_135 = arith.constant 0.000000e+00 : f32
      %broadcast_in_dim3A = vector.broadcast %jit3A : f32 to vector<16xf32>
      %broadcast_in_dim3A_136 = vector.broadcast %jit3A_135 : f32 to vector<16xf32>
      %select_n3A = arith.select %eq3A_134, %broadcast_in_dim3A, %broadcast_in_dim3A_136 : vector<16xi1>, vector<16xf32>
      tpu.vector_store_idx %arg5[%get3A_130], %select_n3A : memref<65536xf32, #tpu.memory_space<vmem>>[vector<16xi32>], vector<16xf32>,
    }
    %scan3A_83 = arith.constant 224 : i32
    %run_scoped3A_84 = arith.constant 11 : i32
    "tpu.region"() ({
      %run_scoped3A_127 = tpu.sem_alloc : memref<!tpu.dma_semaphore, #tpu.memory_space<semaphore_mem>>
      %dma_start3A = tpu.memref_slice %arg4[%run_scoped3A_84, %mul3A_2] : memref<18x2097152xf32, #tpu.memory_space<hbm>> -> memref<1x65536xf32, #tpu.memory_space<hbm>>
      %dma_start3A_128 = tpu.memref_squeeze %dma_start3A : memref<1x65536xf32, #tpu.memory_space<hbm>> -> memref<65536xf32, #tpu.memory_space<hbm>>
      %dma_start3A_129 = tpu.memref_slice %arg4[%run_scoped3A_84, %mul3A_2] : memref<18x2097152xf32, #tpu.memory_space<hbm>> -> memref<1x65536xf32, #tpu.memory_space<hbm>>
      %dma_start3A_130 = tpu.memref_squeeze %dma_start3A_129 : memref<1x65536xf32, #tpu.memory_space<hbm>> -> memref<65536xf32, #tpu.memory_space<hbm>>
      tpu.enqueue_dma source(%arg5 : memref<65536xf32, #tpu.memory_space<vmem>>) target(%dma_start3A_130 : memref<65536xf32, #tpu.memory_space<hbm>>) target_semaphore(%run_scoped3A_127 : memref<!tpu.dma_semaphore, #tpu.memory_space<semaphore_mem>>)
      %dma_wait3A = tpu.memref_slice %arg4[%run_scoped3A_84, %mul3A_2] : memref<18x2097152xf32, #tpu.memory_space<hbm>> -> memref<1x65536xf32, #tpu.memory_space<hbm>>
      %dma_wait3A_131 = tpu.memref_squeeze %dma_wait3A : memref<1x65536xf32, #tpu.memory_space<hbm>> -> memref<65536xf32, #tpu.memory_space<hbm>>
      %dma_wait3A_132 = tpu.memref_slice %arg4[%run_scoped3A_84, %mul3A_2] : memref<18x2097152xf32, #tpu.memory_space<hbm>> -> memref<1x65536xf32, #tpu.memory_space<hbm>>
      %dma_wait3A_133 = tpu.memref_squeeze %dma_wait3A_132 : memref<1x65536xf32, #tpu.memory_space<hbm>> -> memref<65536xf32, #tpu.memory_space<hbm>>
      tpu.wait_dma2 semaphore(%run_scoped3A_127 : memref<!tpu.dma_semaphore, #tpu.memory_space<semaphore_mem>>) src(%arg5 : memref<65536xf32, #tpu.memory_space<vmem>>) dst(%dma_wait3A_133 : memref<65536xf32, #tpu.memory_space<hbm>>)
      tpu.yield
    }) : () -> ()
    "tpu.region"() ({
      %run_scoped3A_127 = tpu.sem_alloc : memref<!tpu.dma_semaphore, #tpu.memory_space<semaphore_mem>>
      %dma_start3A = tpu.memref_slice %arg2[%mul3A_2] : memref<2097152xf32, #tpu.memory_space<hbm>> -> memref<65536xf32, #tpu.memory_space<hbm>>
      %dma_start3A_128 = tpu.memref_slice %arg2[%mul3A_2] : memref<2097152xf32, #tpu.memory_space<hbm>> -> memref<65536xf32, #tpu.memory_space<hbm>>
      tpu.enqueue_dma source(%dma_start3A_128 : memref<65536xf32, #tpu.memory_space<hbm>>) target(%arg5 : memref<65536xf32, #tpu.memory_space<vmem>>) target_semaphore(%run_scoped3A_127 : memref<!tpu.dma_semaphore, #tpu.memory_space<semaphore_mem>>)
      %dma_wait3A = tpu.memref_slice %arg2[%mul3A_2] : memref<2097152xf32, #tpu.memory_space<hbm>> -> memref<65536xf32, #tpu.memory_space<hbm>>
      %dma_wait3A_129 = tpu.memref_slice %arg2[%mul3A_2] : memref<2097152xf32, #tpu.memory_space<hbm>> -> memref<65536xf32, #tpu.memory_space<hbm>>
      tpu.wait_dma2 semaphore(%run_scoped3A_127 : memref<!tpu.dma_semaphore, #tpu.memory_space<semaphore_mem>>) src(%dma_wait3A_129 : memref<65536xf32, #tpu.memory_space<hbm>>) dst(%arg5 : memref<65536xf32, #tpu.memory_space<vmem>>)
      tpu.yield
    }) : () -> ()
    %scan3A_85 = arith.constant 0 : i32
    %scan3A_86 = arith.constant 0 : i32
    %scan3A_87 = arith.constant 224 : i32
    %scan3A_88 = arith.addi %scan3A_86, %scan3A_87 : i32
    %scan3A_89 = arith.constant 1 : i32
    scf.for %scan3A_127 = %scan3A_86 to %scan3A_88 step %scan3A_89  : i32 {
      %mul3A_128 = arith.constant 16 : i32
      %mul3A_129 = arith.muli %scan3A_127, %mul3A_128 : i32
      %get3A = arith.index_cast %mul3A_129 : i32 to index
      %get3A_130 = tpu.vector_load %arg6[%get3A] {strides = array<i32>} : memref<3584xi32, #tpu.memory_space<vmem>>, vector<16xi32>,
      %gather3A = tpu.vector_load_idx %arg5[%get3A_130] : memref<65536xf32, #tpu.memory_space<vmem>>[vector<16xi32>], vector<16xf32>,
      %convert_element_type3A = arith.fptosi %gather3A : vector<16xf32> to vector<16xi32>
      %shift_right_arithmetic3A = arith.constant 2 : i32
      %shift_right_arithmetic3A_131 = vector.broadcast %shift_right_arithmetic3A : i32 to vector<16xi32>
      %shift_right_arithmetic3A_132 = arith.shrsi %convert_element_type3A, %shift_right_arithmetic3A_131 : vector<16xi32>
      %eq3A = arith.constant 12 : i32
      %eq3A_133 = vector.broadcast %eq3A : i32 to vector<16xi32>
      %eq3A_134 = arith.cmpi eq, %shift_right_arithmetic3A_132, %eq3A_133 : vector<16xi32>
      %jit3A = arith.constant 1.000000e+00 : f32
      %jit3A_135 = arith.constant 0.000000e+00 : f32
      %broadcast_in_dim3A = vector.broadcast %jit3A : f32 to vector<16xf32>
      %broadcast_in_dim3A_136 = vector.broadcast %jit3A_135 : f32 to vector<16xf32>
      %select_n3A = arith.select %eq3A_134, %broadcast_in_dim3A, %broadcast_in_dim3A_136 : vector<16xi1>, vector<16xf32>
      tpu.vector_store_idx %arg5[%get3A_130], %select_n3A : memref<65536xf32, #tpu.memory_space<vmem>>[vector<16xi32>], vector<16xf32>,
    }
    %scan3A_90 = arith.constant 224 : i32
    %run_scoped3A_91 = arith.constant 12 : i32
    "tpu.region"() ({
      %run_scoped3A_127 = tpu.sem_alloc : memref<!tpu.dma_semaphore, #tpu.memory_space<semaphore_mem>>
      %dma_start3A = tpu.memref_slice %arg4[%run_scoped3A_91, %mul3A_2] : memref<18x2097152xf32, #tpu.memory_space<hbm>> -> memref<1x65536xf32, #tpu.memory_space<hbm>>
      %dma_start3A_128 = tpu.memref_squeeze %dma_start3A : memref<1x65536xf32, #tpu.memory_space<hbm>> -> memref<65536xf32, #tpu.memory_space<hbm>>
      %dma_start3A_129 = tpu.memref_slice %arg4[%run_scoped3A_91, %mul3A_2] : memref<18x2097152xf32, #tpu.memory_space<hbm>> -> memref<1x65536xf32, #tpu.memory_space<hbm>>
      %dma_start3A_130 = tpu.memref_squeeze %dma_start3A_129 : memref<1x65536xf32, #tpu.memory_space<hbm>> -> memref<65536xf32, #tpu.memory_space<hbm>>
      tpu.enqueue_dma source(%arg5 : memref<65536xf32, #tpu.memory_space<vmem>>) target(%dma_start3A_130 : memref<65536xf32, #tpu.memory_space<hbm>>) target_semaphore(%run_scoped3A_127 : memref<!tpu.dma_semaphore, #tpu.memory_space<semaphore_mem>>)
      %dma_wait3A = tpu.memref_slice %arg4[%run_scoped3A_91, %mul3A_2] : memref<18x2097152xf32, #tpu.memory_space<hbm>> -> memref<1x65536xf32, #tpu.memory_space<hbm>>
      %dma_wait3A_131 = tpu.memref_squeeze %dma_wait3A : memref<1x65536xf32, #tpu.memory_space<hbm>> -> memref<65536xf32, #tpu.memory_space<hbm>>
      %dma_wait3A_132 = tpu.memref_slice %arg4[%run_scoped3A_91, %mul3A_2] : memref<18x2097152xf32, #tpu.memory_space<hbm>> -> memref<1x65536xf32, #tpu.memory_space<hbm>>
      %dma_wait3A_133 = tpu.memref_squeeze %dma_wait3A_132 : memref<1x65536xf32, #tpu.memory_space<hbm>> -> memref<65536xf32, #tpu.memory_space<hbm>>
      tpu.wait_dma2 semaphore(%run_scoped3A_127 : memref<!tpu.dma_semaphore, #tpu.memory_space<semaphore_mem>>) src(%arg5 : memref<65536xf32, #tpu.memory_space<vmem>>) dst(%dma_wait3A_133 : memref<65536xf32, #tpu.memory_space<hbm>>)
      tpu.yield
    }) : () -> ()
    "tpu.region"() ({
      %run_scoped3A_127 = tpu.sem_alloc : memref<!tpu.dma_semaphore, #tpu.memory_space<semaphore_mem>>
      %dma_start3A = tpu.memref_slice %arg2[%mul3A_2] : memref<2097152xf32, #tpu.memory_space<hbm>> -> memref<65536xf32, #tpu.memory_space<hbm>>
      %dma_start3A_128 = tpu.memref_slice %arg2[%mul3A_2] : memref<2097152xf32, #tpu.memory_space<hbm>> -> memref<65536xf32, #tpu.memory_space<hbm>>
      tpu.enqueue_dma source(%dma_start3A_128 : memref<65536xf32, #tpu.memory_space<hbm>>) target(%arg5 : memref<65536xf32, #tpu.memory_space<vmem>>) target_semaphore(%run_scoped3A_127 : memref<!tpu.dma_semaphore, #tpu.memory_space<semaphore_mem>>)
      %dma_wait3A = tpu.memref_slice %arg2[%mul3A_2] : memref<2097152xf32, #tpu.memory_space<hbm>> -> memref<65536xf32, #tpu.memory_space<hbm>>
      %dma_wait3A_129 = tpu.memref_slice %arg2[%mul3A_2] : memref<2097152xf32, #tpu.memory_space<hbm>> -> memref<65536xf32, #tpu.memory_space<hbm>>
      tpu.wait_dma2 semaphore(%run_scoped3A_127 : memref<!tpu.dma_semaphore, #tpu.memory_space<semaphore_mem>>) src(%dma_wait3A_129 : memref<65536xf32, #tpu.memory_space<hbm>>) dst(%arg5 : memref<65536xf32, #tpu.memory_space<vmem>>)
      tpu.yield
    }) : () -> ()
    %scan3A_92 = arith.constant 0 : i32
    %scan3A_93 = arith.constant 0 : i32
    %scan3A_94 = arith.constant 224 : i32
    %scan3A_95 = arith.addi %scan3A_93, %scan3A_94 : i32
    %scan3A_96 = arith.constant 1 : i32
    scf.for %scan3A_127 = %scan3A_93 to %scan3A_95 step %scan3A_96  : i32 {
      %mul3A_128 = arith.constant 16 : i32
      %mul3A_129 = arith.muli %scan3A_127, %mul3A_128 : i32
      %get3A = arith.index_cast %mul3A_129 : i32 to index
      %get3A_130 = tpu.vector_load %arg6[%get3A] {strides = array<i32>} : memref<3584xi32, #tpu.memory_space<vmem>>, vector<16xi32>,
      %gather3A = tpu.vector_load_idx %arg5[%get3A_130] : memref<65536xf32, #tpu.memory_space<vmem>>[vector<16xi32>], vector<16xf32>,
      %convert_element_type3A = arith.fptosi %gather3A : vector<16xf32> to vector<16xi32>
      %and3A = arith.constant 3 : i32
      %and3A_131 = vector.broadcast %and3A : i32 to vector<16xi32>
      %and3A_132 = arith.andi %convert_element_type3A, %and3A_131 : vector<16xi32>
      %eq3A = arith.constant 0 : i32
      %eq3A_133 = vector.broadcast %eq3A : i32 to vector<16xi32>
      %eq3A_134 = arith.cmpi eq, %and3A_132, %eq3A_133 : vector<16xi32>
      %jit3A = arith.constant 1.000000e+00 : f32
      %jit3A_135 = arith.constant 0.000000e+00 : f32
      %broadcast_in_dim3A = vector.broadcast %jit3A : f32 to vector<16xf32>
      %broadcast_in_dim3A_136 = vector.broadcast %jit3A_135 : f32 to vector<16xf32>
      %select_n3A = arith.select %eq3A_134, %broadcast_in_dim3A, %broadcast_in_dim3A_136 : vector<16xi1>, vector<16xf32>
      tpu.vector_store_idx %arg5[%get3A_130], %select_n3A : memref<65536xf32, #tpu.memory_space<vmem>>[vector<16xi32>], vector<16xf32>,
    }
    %scan3A_97 = arith.constant 224 : i32
    %run_scoped3A_98 = arith.constant 13 : i32
    "tpu.region"() ({
      %run_scoped3A_127 = tpu.sem_alloc : memref<!tpu.dma_semaphore, #tpu.memory_space<semaphore_mem>>
      %dma_start3A = tpu.memref_slice %arg4[%run_scoped3A_98, %mul3A_2] : memref<18x2097152xf32, #tpu.memory_space<hbm>> -> memref<1x65536xf32, #tpu.memory_space<hbm>>
      %dma_start3A_128 = tpu.memref_squeeze %dma_start3A : memref<1x65536xf32, #tpu.memory_space<hbm>> -> memref<65536xf32, #tpu.memory_space<hbm>>
      %dma_start3A_129 = tpu.memref_slice %arg4[%run_scoped3A_98, %mul3A_2] : memref<18x2097152xf32, #tpu.memory_space<hbm>> -> memref<1x65536xf32, #tpu.memory_space<hbm>>
      %dma_start3A_130 = tpu.memref_squeeze %dma_start3A_129 : memref<1x65536xf32, #tpu.memory_space<hbm>> -> memref<65536xf32, #tpu.memory_space<hbm>>
      tpu.enqueue_dma source(%arg5 : memref<65536xf32, #tpu.memory_space<vmem>>) target(%dma_start3A_130 : memref<65536xf32, #tpu.memory_space<hbm>>) target_semaphore(%run_scoped3A_127 : memref<!tpu.dma_semaphore, #tpu.memory_space<semaphore_mem>>)
      %dma_wait3A = tpu.memref_slice %arg4[%run_scoped3A_98, %mul3A_2] : memref<18x2097152xf32, #tpu.memory_space<hbm>> -> memref<1x65536xf32, #tpu.memory_space<hbm>>
      %dma_wait3A_131 = tpu.memref_squeeze %dma_wait3A : memref<1x65536xf32, #tpu.memory_space<hbm>> -> memref<65536xf32, #tpu.memory_space<hbm>>
      %dma_wait3A_132 = tpu.memref_slice %arg4[%run_scoped3A_98, %mul3A_2] : memref<18x2097152xf32, #tpu.memory_space<hbm>> -> memref<1x65536xf32, #tpu.memory_space<hbm>>
      %dma_wait3A_133 = tpu.memref_squeeze %dma_wait3A_132 : memref<1x65536xf32, #tpu.memory_space<hbm>> -> memref<65536xf32, #tpu.memory_space<hbm>>
      tpu.wait_dma2 semaphore(%run_scoped3A_127 : memref<!tpu.dma_semaphore, #tpu.memory_space<semaphore_mem>>) src(%arg5 : memref<65536xf32, #tpu.memory_space<vmem>>) dst(%dma_wait3A_133 : memref<65536xf32, #tpu.memory_space<hbm>>)
      tpu.yield
    }) : () -> ()
    "tpu.region"() ({
      %run_scoped3A_127 = tpu.sem_alloc : memref<!tpu.dma_semaphore, #tpu.memory_space<semaphore_mem>>
      %dma_start3A = tpu.memref_slice %arg2[%mul3A_2] : memref<2097152xf32, #tpu.memory_space<hbm>> -> memref<65536xf32, #tpu.memory_space<hbm>>
      %dma_start3A_128 = tpu.memref_slice %arg2[%mul3A_2] : memref<2097152xf32, #tpu.memory_space<hbm>> -> memref<65536xf32, #tpu.memory_space<hbm>>
      tpu.enqueue_dma source(%dma_start3A_128 : memref<65536xf32, #tpu.memory_space<hbm>>) target(%arg5 : memref<65536xf32, #tpu.memory_space<vmem>>) target_semaphore(%run_scoped3A_127 : memref<!tpu.dma_semaphore, #tpu.memory_space<semaphore_mem>>)
      %dma_wait3A = tpu.memref_slice %arg2[%mul3A_2] : memref<2097152xf32, #tpu.memory_space<hbm>> -> memref<65536xf32, #tpu.memory_space<hbm>>
      %dma_wait3A_129 = tpu.memref_slice %arg2[%mul3A_2] : memref<2097152xf32, #tpu.memory_space<hbm>> -> memref<65536xf32, #tpu.memory_space<hbm>>
      tpu.wait_dma2 semaphore(%run_scoped3A_127 : memref<!tpu.dma_semaphore, #tpu.memory_space<semaphore_mem>>) src(%dma_wait3A_129 : memref<65536xf32, #tpu.memory_space<hbm>>) dst(%arg5 : memref<65536xf32, #tpu.memory_space<vmem>>)
      tpu.yield
    }) : () -> ()
    %scan3A_99 = arith.constant 0 : i32
    %scan3A_100 = arith.constant 0 : i32
    %scan3A_101 = arith.constant 224 : i32
    %scan3A_102 = arith.addi %scan3A_100, %scan3A_101 : i32
    %scan3A_103 = arith.constant 1 : i32
    scf.for %scan3A_127 = %scan3A_100 to %scan3A_102 step %scan3A_103  : i32 {
      %mul3A_128 = arith.constant 16 : i32
      %mul3A_129 = arith.muli %scan3A_127, %mul3A_128 : i32
      %get3A = arith.index_cast %mul3A_129 : i32 to index
      %get3A_130 = tpu.vector_load %arg6[%get3A] {strides = array<i32>} : memref<3584xi32, #tpu.memory_space<vmem>>, vector<16xi32>,
      %gather3A = tpu.vector_load_idx %arg5[%get3A_130] : memref<65536xf32, #tpu.memory_space<vmem>>[vector<16xi32>], vector<16xf32>,
      %convert_element_type3A = arith.fptosi %gather3A : vector<16xf32> to vector<16xi32>
      %and3A = arith.constant 3 : i32
      %and3A_131 = vector.broadcast %and3A : i32 to vector<16xi32>
      %and3A_132 = arith.andi %convert_element_type3A, %and3A_131 : vector<16xi32>
      %eq3A = arith.constant 1 : i32
      %eq3A_133 = vector.broadcast %eq3A : i32 to vector<16xi32>
      %eq3A_134 = arith.cmpi eq, %and3A_132, %eq3A_133 : vector<16xi32>
      %jit3A = arith.constant 1.000000e+00 : f32
      %jit3A_135 = arith.constant 0.000000e+00 : f32
      %broadcast_in_dim3A = vector.broadcast %jit3A : f32 to vector<16xf32>
      %broadcast_in_dim3A_136 = vector.broadcast %jit3A_135 : f32 to vector<16xf32>
      %select_n3A = arith.select %eq3A_134, %broadcast_in_dim3A, %broadcast_in_dim3A_136 : vector<16xi1>, vector<16xf32>
      tpu.vector_store_idx %arg5[%get3A_130], %select_n3A : memref<65536xf32, #tpu.memory_space<vmem>>[vector<16xi32>], vector<16xf32>,
    }
    %scan3A_104 = arith.constant 224 : i32
    %run_scoped3A_105 = arith.constant 14 : i32
    "tpu.region"() ({
      %run_scoped3A_127 = tpu.sem_alloc : memref<!tpu.dma_semaphore, #tpu.memory_space<semaphore_mem>>
      %dma_start3A = tpu.memref_slice %arg4[%run_scoped3A_105, %mul3A_2] : memref<18x2097152xf32, #tpu.memory_space<hbm>> -> memref<1x65536xf32, #tpu.memory_space<hbm>>
      %dma_start3A_128 = tpu.memref_squeeze %dma_start3A : memref<1x65536xf32, #tpu.memory_space<hbm>> -> memref<65536xf32, #tpu.memory_space<hbm>>
      %dma_start3A_129 = tpu.memref_slice %arg4[%run_scoped3A_105, %mul3A_2] : memref<18x2097152xf32, #tpu.memory_space<hbm>> -> memref<1x65536xf32, #tpu.memory_space<hbm>>
      %dma_start3A_130 = tpu.memref_squeeze %dma_start3A_129 : memref<1x65536xf32, #tpu.memory_space<hbm>> -> memref<65536xf32, #tpu.memory_space<hbm>>
      tpu.enqueue_dma source(%arg5 : memref<65536xf32, #tpu.memory_space<vmem>>) target(%dma_start3A_130 : memref<65536xf32, #tpu.memory_space<hbm>>) target_semaphore(%run_scoped3A_127 : memref<!tpu.dma_semaphore, #tpu.memory_space<semaphore_mem>>)
      %dma_wait3A = tpu.memref_slice %arg4[%run_scoped3A_105, %mul3A_2] : memref<18x2097152xf32, #tpu.memory_space<hbm>> -> memref<1x65536xf32, #tpu.memory_space<hbm>>
      %dma_wait3A_131 = tpu.memref_squeeze %dma_wait3A : memref<1x65536xf32, #tpu.memory_space<hbm>> -> memref<65536xf32, #tpu.memory_space<hbm>>
      %dma_wait3A_132 = tpu.memref_slice %arg4[%run_scoped3A_105, %mul3A_2] : memref<18x2097152xf32, #tpu.memory_space<hbm>> -> memref<1x65536xf32, #tpu.memory_space<hbm>>
      %dma_wait3A_133 = tpu.memref_squeeze %dma_wait3A_132 : memref<1x65536xf32, #tpu.memory_space<hbm>> -> memref<65536xf32, #tpu.memory_space<hbm>>
      tpu.wait_dma2 semaphore(%run_scoped3A_127 : memref<!tpu.dma_semaphore, #tpu.memory_space<semaphore_mem>>) src(%arg5 : memref<65536xf32, #tpu.memory_space<vmem>>) dst(%dma_wait3A_133 : memref<65536xf32, #tpu.memory_space<hbm>>)
      tpu.yield
    }) : () -> ()
    "tpu.region"() ({
      %run_scoped3A_127 = tpu.sem_alloc : memref<!tpu.dma_semaphore, #tpu.memory_space<semaphore_mem>>
      %dma_start3A = tpu.memref_slice %arg2[%mul3A_2] : memref<2097152xf32, #tpu.memory_space<hbm>> -> memref<65536xf32, #tpu.memory_space<hbm>>
      %dma_start3A_128 = tpu.memref_slice %arg2[%mul3A_2] : memref<2097152xf32, #tpu.memory_space<hbm>> -> memref<65536xf32, #tpu.memory_space<hbm>>
      tpu.enqueue_dma source(%dma_start3A_128 : memref<65536xf32, #tpu.memory_space<hbm>>) target(%arg5 : memref<65536xf32, #tpu.memory_space<vmem>>) target_semaphore(%run_scoped3A_127 : memref<!tpu.dma_semaphore, #tpu.memory_space<semaphore_mem>>)
      %dma_wait3A = tpu.memref_slice %arg2[%mul3A_2] : memref<2097152xf32, #tpu.memory_space<hbm>> -> memref<65536xf32, #tpu.memory_space<hbm>>
      %dma_wait3A_129 = tpu.memref_slice %arg2[%mul3A_2] : memref<2097152xf32, #tpu.memory_space<hbm>> -> memref<65536xf32, #tpu.memory_space<hbm>>
      tpu.wait_dma2 semaphore(%run_scoped3A_127 : memref<!tpu.dma_semaphore, #tpu.memory_space<semaphore_mem>>) src(%dma_wait3A_129 : memref<65536xf32, #tpu.memory_space<hbm>>) dst(%arg5 : memref<65536xf32, #tpu.memory_space<vmem>>)
      tpu.yield
    }) : () -> ()
    %scan3A_106 = arith.constant 0 : i32
    %scan3A_107 = arith.constant 0 : i32
    %scan3A_108 = arith.constant 224 : i32
    %scan3A_109 = arith.addi %scan3A_107, %scan3A_108 : i32
    %scan3A_110 = arith.constant 1 : i32
    scf.for %scan3A_127 = %scan3A_107 to %scan3A_109 step %scan3A_110  : i32 {
      %mul3A_128 = arith.constant 16 : i32
      %mul3A_129 = arith.muli %scan3A_127, %mul3A_128 : i32
      %get3A = arith.index_cast %mul3A_129 : i32 to index
      %get3A_130 = tpu.vector_load %arg6[%get3A] {strides = array<i32>} : memref<3584xi32, #tpu.memory_space<vmem>>, vector<16xi32>,
      %gather3A = tpu.vector_load_idx %arg5[%get3A_130] : memref<65536xf32, #tpu.memory_space<vmem>>[vector<16xi32>], vector<16xf32>,
      %convert_element_type3A = arith.fptosi %gather3A : vector<16xf32> to vector<16xi32>
      %and3A = arith.constant 3 : i32
      %and3A_131 = vector.broadcast %and3A : i32 to vector<16xi32>
      %and3A_132 = arith.andi %convert_element_type3A, %and3A_131 : vector<16xi32>
      %eq3A = arith.constant 2 : i32
      %eq3A_133 = vector.broadcast %eq3A : i32 to vector<16xi32>
      %eq3A_134 = arith.cmpi eq, %and3A_132, %eq3A_133 : vector<16xi32>
      %jit3A = arith.constant 1.000000e+00 : f32
      %jit3A_135 = arith.constant 0.000000e+00 : f32
      %broadcast_in_dim3A = vector.broadcast %jit3A : f32 to vector<16xf32>
      %broadcast_in_dim3A_136 = vector.broadcast %jit3A_135 : f32 to vector<16xf32>
      %select_n3A = arith.select %eq3A_134, %broadcast_in_dim3A, %broadcast_in_dim3A_136 : vector<16xi1>, vector<16xf32>
      tpu.vector_store_idx %arg5[%get3A_130], %select_n3A : memref<65536xf32, #tpu.memory_space<vmem>>[vector<16xi32>], vector<16xf32>,
    }
    %scan3A_111 = arith.constant 224 : i32
    %run_scoped3A_112 = arith.constant 15 : i32
    "tpu.region"() ({
      %run_scoped3A_127 = tpu.sem_alloc : memref<!tpu.dma_semaphore, #tpu.memory_space<semaphore_mem>>
      %dma_start3A = tpu.memref_slice %arg4[%run_scoped3A_112, %mul3A_2] : memref<18x2097152xf32, #tpu.memory_space<hbm>> -> memref<1x65536xf32, #tpu.memory_space<hbm>>
      %dma_start3A_128 = tpu.memref_squeeze %dma_start3A : memref<1x65536xf32, #tpu.memory_space<hbm>> -> memref<65536xf32, #tpu.memory_space<hbm>>
      %dma_start3A_129 = tpu.memref_slice %arg4[%run_scoped3A_112, %mul3A_2] : memref<18x2097152xf32, #tpu.memory_space<hbm>> -> memref<1x65536xf32, #tpu.memory_space<hbm>>
      %dma_start3A_130 = tpu.memref_squeeze %dma_start3A_129 : memref<1x65536xf32, #tpu.memory_space<hbm>> -> memref<65536xf32, #tpu.memory_space<hbm>>
      tpu.enqueue_dma source(%arg5 : memref<65536xf32, #tpu.memory_space<vmem>>) target(%dma_start3A_130 : memref<65536xf32, #tpu.memory_space<hbm>>) target_semaphore(%run_scoped3A_127 : memref<!tpu.dma_semaphore, #tpu.memory_space<semaphore_mem>>)
      %dma_wait3A = tpu.memref_slice %arg4[%run_scoped3A_112, %mul3A_2] : memref<18x2097152xf32, #tpu.memory_space<hbm>> -> memref<1x65536xf32, #tpu.memory_space<hbm>>
      %dma_wait3A_131 = tpu.memref_squeeze %dma_wait3A : memref<1x65536xf32, #tpu.memory_space<hbm>> -> memref<65536xf32, #tpu.memory_space<hbm>>
      %dma_wait3A_132 = tpu.memref_slice %arg4[%run_scoped3A_112, %mul3A_2] : memref<18x2097152xf32, #tpu.memory_space<hbm>> -> memref<1x65536xf32, #tpu.memory_space<hbm>>
      %dma_wait3A_133 = tpu.memref_squeeze %dma_wait3A_132 : memref<1x65536xf32, #tpu.memory_space<hbm>> -> memref<65536xf32, #tpu.memory_space<hbm>>
      tpu.wait_dma2 semaphore(%run_scoped3A_127 : memref<!tpu.dma_semaphore, #tpu.memory_space<semaphore_mem>>) src(%arg5 : memref<65536xf32, #tpu.memory_space<vmem>>) dst(%dma_wait3A_133 : memref<65536xf32, #tpu.memory_space<hbm>>)
      tpu.yield
    }) : () -> ()
    "tpu.region"() ({
      %run_scoped3A_127 = tpu.sem_alloc : memref<!tpu.dma_semaphore, #tpu.memory_space<semaphore_mem>>
      %dma_start3A = tpu.memref_slice %arg2[%mul3A_2] : memref<2097152xf32, #tpu.memory_space<hbm>> -> memref<65536xf32, #tpu.memory_space<hbm>>
      %dma_start3A_128 = tpu.memref_slice %arg2[%mul3A_2] : memref<2097152xf32, #tpu.memory_space<hbm>> -> memref<65536xf32, #tpu.memory_space<hbm>>
      tpu.enqueue_dma source(%dma_start3A_128 : memref<65536xf32, #tpu.memory_space<hbm>>) target(%arg5 : memref<65536xf32, #tpu.memory_space<vmem>>) target_semaphore(%run_scoped3A_127 : memref<!tpu.dma_semaphore, #tpu.memory_space<semaphore_mem>>)
      %dma_wait3A = tpu.memref_slice %arg2[%mul3A_2] : memref<2097152xf32, #tpu.memory_space<hbm>> -> memref<65536xf32, #tpu.memory_space<hbm>>
      %dma_wait3A_129 = tpu.memref_slice %arg2[%mul3A_2] : memref<2097152xf32, #tpu.memory_space<hbm>> -> memref<65536xf32, #tpu.memory_space<hbm>>
      tpu.wait_dma2 semaphore(%run_scoped3A_127 : memref<!tpu.dma_semaphore, #tpu.memory_space<semaphore_mem>>) src(%dma_wait3A_129 : memref<65536xf32, #tpu.memory_space<hbm>>) dst(%arg5 : memref<65536xf32, #tpu.memory_space<vmem>>)
      tpu.yield
    }) : () -> ()
    %scan3A_113 = arith.constant 0 : i32
    %scan3A_114 = arith.constant 0 : i32
    %scan3A_115 = arith.constant 224 : i32
    %scan3A_116 = arith.addi %scan3A_114, %scan3A_115 : i32
    %scan3A_117 = arith.constant 1 : i32
    scf.for %scan3A_127 = %scan3A_114 to %scan3A_116 step %scan3A_117  : i32 {
      %mul3A_128 = arith.constant 16 : i32
      %mul3A_129 = arith.muli %scan3A_127, %mul3A_128 : i32
      %get3A = arith.index_cast %mul3A_129 : i32 to index
      %get3A_130 = tpu.vector_load %arg6[%get3A] {strides = array<i32>} : memref<3584xi32, #tpu.memory_space<vmem>>, vector<16xi32>,
      %gather3A = tpu.vector_load_idx %arg5[%get3A_130] : memref<65536xf32, #tpu.memory_space<vmem>>[vector<16xi32>], vector<16xf32>,
      %convert_element_type3A = arith.fptosi %gather3A : vector<16xf32> to vector<16xi32>
      %and3A = arith.constant 3 : i32
      %and3A_131 = vector.broadcast %and3A : i32 to vector<16xi32>
      %and3A_132 = arith.andi %convert_element_type3A, %and3A_131 : vector<16xi32>
      %eq3A = arith.constant 3 : i32
      %eq3A_133 = vector.broadcast %eq3A : i32 to vector<16xi32>
      %eq3A_134 = arith.cmpi eq, %and3A_132, %eq3A_133 : vector<16xi32>
      %jit3A = arith.constant 1.000000e+00 : f32
      %jit3A_135 = arith.constant 0.000000e+00 : f32
      %broadcast_in_dim3A = vector.broadcast %jit3A : f32 to vector<16xf32>
      %broadcast_in_dim3A_136 = vector.broadcast %jit3A_135 : f32 to vector<16xf32>
      %select_n3A = arith.select %eq3A_134, %broadcast_in_dim3A, %broadcast_in_dim3A_136 : vector<16xi1>, vector<16xf32>
      tpu.vector_store_idx %arg5[%get3A_130], %select_n3A : memref<65536xf32, #tpu.memory_space<vmem>>[vector<16xi32>], vector<16xf32>,
    }
    %scan3A_118 = arith.constant 224 : i32
    %run_scoped3A_119 = arith.constant 16 : i32
    "tpu.region"() ({
      %run_scoped3A_127 = tpu.sem_alloc : memref<!tpu.dma_semaphore, #tpu.memory_space<semaphore_mem>>
      %dma_start3A = tpu.memref_slice %arg4[%run_scoped3A_119, %mul3A_2] : memref<18x2097152xf32, #tpu.memory_space<hbm>> -> memref<1x65536xf32, #tpu.memory_space<hbm>>
      %dma_start3A_128 = tpu.memref_squeeze %dma_start3A : memref<1x65536xf32, #tpu.memory_space<hbm>> -> memref<65536xf32, #tpu.memory_space<hbm>>
      %dma_start3A_129 = tpu.memref_slice %arg4[%run_scoped3A_119, %mul3A_2] : memref<18x2097152xf32, #tpu.memory_space<hbm>> -> memref<1x65536xf32, #tpu.memory_space<hbm>>
      %dma_start3A_130 = tpu.memref_squeeze %dma_start3A_129 : memref<1x65536xf32, #tpu.memory_space<hbm>> -> memref<65536xf32, #tpu.memory_space<hbm>>
      tpu.enqueue_dma source(%arg5 : memref<65536xf32, #tpu.memory_space<vmem>>) target(%dma_start3A_130 : memref<65536xf32, #tpu.memory_space<hbm>>) target_semaphore(%run_scoped3A_127 : memref<!tpu.dma_semaphore, #tpu.memory_space<semaphore_mem>>)
      %dma_wait3A = tpu.memref_slice %arg4[%run_scoped3A_119, %mul3A_2] : memref<18x2097152xf32, #tpu.memory_space<hbm>> -> memref<1x65536xf32, #tpu.memory_space<hbm>>
      %dma_wait3A_131 = tpu.memref_squeeze %dma_wait3A : memref<1x65536xf32, #tpu.memory_space<hbm>> -> memref<65536xf32, #tpu.memory_space<hbm>>
      %dma_wait3A_132 = tpu.memref_slice %arg4[%run_scoped3A_119, %mul3A_2] : memref<18x2097152xf32, #tpu.memory_space<hbm>> -> memref<1x65536xf32, #tpu.memory_space<hbm>>
      %dma_wait3A_133 = tpu.memref_squeeze %dma_wait3A_132 : memref<1x65536xf32, #tpu.memory_space<hbm>> -> memref<65536xf32, #tpu.memory_space<hbm>>
      tpu.wait_dma2 semaphore(%run_scoped3A_127 : memref<!tpu.dma_semaphore, #tpu.memory_space<semaphore_mem>>) src(%arg5 : memref<65536xf32, #tpu.memory_space<vmem>>) dst(%dma_wait3A_133 : memref<65536xf32, #tpu.memory_space<hbm>>)
      tpu.yield
    }) : () -> ()
    "tpu.region"() ({
      %run_scoped3A_127 = tpu.sem_alloc : memref<!tpu.dma_semaphore, #tpu.memory_space<semaphore_mem>>
      %dma_start3A = tpu.memref_slice %arg2[%mul3A_2] : memref<2097152xf32, #tpu.memory_space<hbm>> -> memref<65536xf32, #tpu.memory_space<hbm>>
      %dma_start3A_128 = tpu.memref_slice %arg2[%mul3A_2] : memref<2097152xf32, #tpu.memory_space<hbm>> -> memref<65536xf32, #tpu.memory_space<hbm>>
      tpu.enqueue_dma source(%dma_start3A_128 : memref<65536xf32, #tpu.memory_space<hbm>>) target(%arg5 : memref<65536xf32, #tpu.memory_space<vmem>>) target_semaphore(%run_scoped3A_127 : memref<!tpu.dma_semaphore, #tpu.memory_space<semaphore_mem>>)
      %dma_wait3A = tpu.memref_slice %arg2[%mul3A_2] : memref<2097152xf32, #tpu.memory_space<hbm>> -> memref<65536xf32, #tpu.memory_space<hbm>>
      %dma_wait3A_129 = tpu.memref_slice %arg2[%mul3A_2] : memref<2097152xf32, #tpu.memory_space<hbm>> -> memref<65536xf32, #tpu.memory_space<hbm>>
      tpu.wait_dma2 semaphore(%run_scoped3A_127 : memref<!tpu.dma_semaphore, #tpu.memory_space<semaphore_mem>>) src(%dma_wait3A_129 : memref<65536xf32, #tpu.memory_space<hbm>>) dst(%arg5 : memref<65536xf32, #tpu.memory_space<vmem>>)
      tpu.yield
    }) : () -> ()
    %scan3A_120 = arith.constant 0 : i32
    %scan3A_121 = arith.constant 0 : i32
    %scan3A_122 = arith.constant 224 : i32
    %scan3A_123 = arith.addi %scan3A_121, %scan3A_122 : i32
    %scan3A_124 = arith.constant 1 : i32
    scf.for %scan3A_127 = %scan3A_121 to %scan3A_123 step %scan3A_124  : i32 {
      %mul3A_128 = arith.constant 16 : i32
      %mul3A_129 = arith.muli %scan3A_127, %mul3A_128 : i32
      %get3A = arith.index_cast %mul3A_129 : i32 to index
      %get3A_130 = tpu.vector_load %arg6[%get3A] {strides = array<i32>} : memref<3584xi32, #tpu.memory_space<vmem>>, vector<16xi32>,
      %broadcast_in_dim3A = arith.constant 1.000000e+00 : f32
      %broadcast_in_dim3A_131 = vector.broadcast %broadcast_in_dim3A : f32 to vector<16xf32>
      tpu.vector_store_idx %arg5[%get3A_130], %broadcast_in_dim3A_131 : memref<65536xf32, #tpu.memory_space<vmem>>[vector<16xi32>], vector<16xf32>,
    }
    %scan3A_125 = arith.constant 224 : i32
    %run_scoped3A_126 = arith.constant 17 : i32
    "tpu.region"() ({
      %run_scoped3A_127 = tpu.sem_alloc : memref<!tpu.dma_semaphore, #tpu.memory_space<semaphore_mem>>
      %dma_start3A = tpu.memref_slice %arg4[%run_scoped3A_126, %mul3A_2] : memref<18x2097152xf32, #tpu.memory_space<hbm>> -> memref<1x65536xf32, #tpu.memory_space<hbm>>
      %dma_start3A_128 = tpu.memref_squeeze %dma_start3A : memref<1x65536xf32, #tpu.memory_space<hbm>> -> memref<65536xf32, #tpu.memory_space<hbm>>
      %dma_start3A_129 = tpu.memref_slice %arg4[%run_scoped3A_126, %mul3A_2] : memref<18x2097152xf32, #tpu.memory_space<hbm>> -> memref<1x65536xf32, #tpu.memory_space<hbm>>
      %dma_start3A_130 = tpu.memref_squeeze %dma_start3A_129 : memref<1x65536xf32, #tpu.memory_space<hbm>> -> memref<65536xf32, #tpu.memory_space<hbm>>
      tpu.enqueue_dma source(%arg5 : memref<65536xf32, #tpu.memory_space<vmem>>) target(%dma_start3A_130 : memref<65536xf32, #tpu.memory_space<hbm>>) target_semaphore(%run_scoped3A_127 : memref<!tpu.dma_semaphore, #tpu.memory_space<semaphore_mem>>)
      %dma_wait3A = tpu.memref_slice %arg4[%run_scoped3A_126, %mul3A_2] : memref<18x2097152xf32, #tpu.memory_space<hbm>> -> memref<1x65536xf32, #tpu.memory_space<hbm>>
      %dma_wait3A_131 = tpu.memref_squeeze %dma_wait3A : memref<1x65536xf32, #tpu.memory_space<hbm>> -> memref<65536xf32, #tpu.memory_space<hbm>>
      %dma_wait3A_132 = tpu.memref_slice %arg4[%run_scoped3A_126, %mul3A_2] : memref<18x2097152xf32, #tpu.memory_space<hbm>> -> memref<1x65536xf32, #tpu.memory_space<hbm>>
      %dma_wait3A_133 = tpu.memref_squeeze %dma_wait3A_132 : memref<1x65536xf32, #tpu.memory_space<hbm>> -> memref<65536xf32, #tpu.memory_space<hbm>>
      tpu.wait_dma2 semaphore(%run_scoped3A_127 : memref<!tpu.dma_semaphore, #tpu.memory_space<semaphore_mem>>) src(%arg5 : memref<65536xf32, #tpu.memory_space<vmem>>) dst(%dma_wait3A_133 : memref<65536xf32, #tpu.memory_space<hbm>>)
      tpu.yield
    }) : () -> ()
    return
  }
}

</mosaic_0001>

<sc_bundles>
// kernel: _run.3.cloned.1.call-start
scs
__scs_entry_jumppad:
0x0: {  	(pc) =	sbr.rel $0x88, $3  }
0x1: {  	(tag) =	ssettag $0x0;
	lr =	simm.s32 $0x1  }
0x2: {  	[smem:$0x3FA0] =	sst lr;
	_ =	strace $0xD0000000  }
0x3: {  	_ = 	snop  }
0x4: {  	_ = 	snop  }
0x5: {  	_ = 	snop  }
0x6: {  	_ = 	snop  }
0x7: {  	_ = 	snop  }
__scs_overlays_trampoline_lowered:
0x8: {  	[smem:$0x3FAF] =	sst s0  }
0x9: {  	[smem:$0x3FB0] =	sst s1  }
0xa: {  	[smem:$0x3FB1] =	sst s2  }
0xb: {  	[smem:$0x3FB2] =	sst s3  }
0xc: {  	[smem:$0x3FB3] =	sst s4  }
0xd: {  	[smem:$0x3FB4] =	sst s5  }
0xe: {  	[smem:$0x3FB5] =	sst s6  }
0xf: {  	[smem:$0x3FB6] =	sst s7  }
0x10: {  	[smem:$0x3FB7] =	sst s8  }
0x11: {  	[smem:$0x3FB8] =	sst s9;
	s0 =	simm.s32 @!p0 $0x0  }
0x12: {  	s1 =	sld [smem:$0x3F9E];
	s0 =	simm.s32 @p0 $0x1  }
0x13: {  	[smem:$0x3FB9] =	sst s0;
	s0 =	simm.s32 @!p1 $0x0  }
0x14: {  	s2 =	sld [smem:$0x3F9D];
	s0 =	simm.s32 @p1 $0x1  }
0x15: {  	[smem:$0x3FBA] =	sst s0;
	s0 =	simm.s32 @!p2 $0x0  }
0x16: {  	s3 =	sld [smem:$0x3FDB];
	s0 =	simm.s32 @p2 $0x1  }
0x17: {  	s4 =	simm.s32 $0x1BF5;
	[smem:$0x3FBC] =	sst s0  }
0x18: {  	s0 =	sld [smem:$0x3F9F];
	_ =	swait.ge [sflag:s4], $0x0  }
0x19: {  	s7 =	sld [smem:$0x3FA0]  }
0x1a: {  	s8 =	sadd.s32 $0xFFFFE003, lr  }
0x1b: {  	s9 =	sadd.s32 $0xFFFFFEF7, lr;
	s5 =	simm.s32 $0xFFFFFFFF;
	p2 =	slt.u32 s8, $0xFFFFF086  }
0x1c: {  	p1 =	slt.u32 s9, $0xF7A;
	s5 =	simm.s32 @!p2 $0x0  }
0x1d: {  	s5 =	simm.s32 @p1 $0x1;
	p0 =	seq.s32 s7, s2  }
0x1e: {  	s7 =	smul.u32 @!p0 $0xF7A, s2;
	p2 =	seq.s32 @!p0 s5, $0x0  }
0x1f: {  	s9 =	smul.u32 $0xF7A, s1;
	s8 =	simm.s32 @!p0 $0x1BF5;
	p2 =	por !p2, p0  }
0x20: {  	[sflag:s8] =	ssyncset.s32 @!p0 $0xFFFFF086;
	s6 =	sadd.s32 @!p0 s3, s7;
	s7 =	simm.s32 @!p0 $0x108  }
0x21: {  	s3 =	sadd.s32 s3, s9;
	s6 =	sadd.s32 @!p0 $0x88, s6;
	s7 =	simm.s32 @p2 $0x1082  }
0x22: {  	[simem:s7], [sflag:s8] =	dma.local @!p0 [hbm:s6], $0xF7A  }
0x23: {  	s9 =	sor.u32 $0xD0000000, s2;
	s6 =	simm.s32 $0x108;
	_ =	swait.ge @!p0 [sflag:s8], $0x0  }
0x24: {  	s3 =	sadd.s32 $0x88, s3;
	s6 =	simm.s32 @!p1 $0x1082;
	[sflag:s4] =	ssyncset.s32 $0xFFFFF086  }
0x25: {  	[simem:s6], [sflag:s4] =	dma.local [hbm:s3], $0xF7A  }
0x26: {  	[smem:$0x3FA0] =	sst s1;
	(tag) =	ssettag s2;
	_ =	strace s9  }
0x27: {  	s1 =	sld [smem:$0x3FB0]  }
0x28: {  	s2 =	sld [smem:$0x3FB1]  }
0x29: {  	s4 =	sld [smem:$0x3FB3]  }
0x2a: {  	p0 =	seq.s32 s5, $0x0;
	s5 =	sld [smem:$0x3FB4]  }
0x2b: {  	s6 =	sld [smem:$0x3FB5]  }
0x2c: {  	s7 =	sld [smem:$0x3FB6]  }
0x2d: {  	s3 =	simm.s32 $0x108;
	s8 =	sld [smem:$0x3FB7]  }
0x2e: {  	s3 =	simm.s32 @!p0 $0x1082;
	s9 =	sld [smem:$0x3FB8]  }
0x2f: {  	lr =	sadd.s32 s0, s3;
	s0 =	sld [smem:$0x3FAF]  }
0x30: {  	s3 =	sld [smem:$0x3FB2]  }
0x31: {  	[smem:$0x3FBB] =	sst s10  }
0x32: {  	s10 =	sld [smem:$0x3FB9];
	_ =	sdelay $0x3  }
0x33: {  	p0 =	seq.s32 s10, $0x1;
	s10 =	sld [smem:$0x3FBB];
	_ =	sdelay $0x3  }
0x34: {  	[smem:$0x3FBB] =	sst s10  }
0x35: {  	s10 =	sld [smem:$0x3FBA];
	_ =	sdelay $0x3  }
0x36: {  	p1 =	seq.s32 s10, $0x1;
	s10 =	sld [smem:$0x3FBB];
	_ =	sdelay $0x3  }
0x37: {  	[smem:$0x3FBB] =	sst s10  }
0x38: {  	s10 =	sld [smem:$0x3FBC]  }
0x39: {  	_ = 	snop;
	(pc) =	sbr.ind lr, $3  }
0x3a: {  	_ = 	snop  }
0x3b: {  	_ = 	snop  }
0x3c: {  	p2 =	seq.s32 s10, $0x1;
	s10 =	sld [smem:$0x3FBB]  }
0x3d: {  	_ =	shalt  }
0x3e: {  	_ =	shalt  }
0x3f: {  	_ =	shalt  }
0x40: {  	_ =	shalt  }
0x41: {  	_ =	shalt  }
0x42: {  	_ =	shalt  }
0x43: {  	_ =	shalt  }
0x44: {  	_ =	shalt  }
0x45: {  	_ =	shalt  }
0x46: {  	_ =	shalt  }
0x47: {  	_ =	shalt  }
0x48: {  	_ =	shalt  }
0x49: {  	_ =	shalt  }
0x4a: {  	_ =	shalt  }
0x4b: {  	_ =	shalt  }
0x4c: {  	_ =	shalt  }
0x4d: {  	_ =	shalt  }
0x4e: {  	_ =	shalt  }
0x4f: {  	_ =	shalt  }
0x50: {  	_ =	shalt  }
0x51: {  	_ =	shalt  }
0x52: {  	_ =	shalt  }
0x53: {  	_ =	shalt  }
0x54: {  	_ =	shalt  }
0x55: {  	_ =	shalt  }
0x56: {  	_ =	shalt  }
0x57: {  	_ =	shalt  }
0x58: {  	_ =	shalt  }
0x59: {  	_ =	shalt  }
0x5a: {  	_ =	shalt  }
0x5b: {  	_ =	shalt  }
0x5c: {  	_ =	shalt  }
0x5d: {  	_ =	shalt  }
0x5e: {  	_ =	shalt  }
0x5f: {  	_ =	shalt  }
0x60: {  	_ =	shalt  }
0x61: {  	_ =	shalt  }
0x62: {  	_ =	shalt  }
0x63: {  	_ =	shalt  }
0x64: {  	_ =	shalt  }
0x65: {  	_ =	shalt  }
0x66: {  	_ =	shalt  }
0x67: {  	_ =	shalt  }
0x68: {  	_ =	shalt  }
0x69: {  	_ =	shalt  }
0x6a: {  	_ =	shalt  }
0x6b: {  	_ =	shalt  }
0x6c: {  	_ =	shalt  }
0x6d: {  	_ =	shalt  }
0x6e: {  	_ =	shalt  }
0x6f: {  	_ =	shalt  }
0x70: {  	_ =	shalt  }
0x71: {  	_ =	shalt  }
0x72: {  	_ =	shalt  }
0x73: {  	_ =	shalt  }
0x74: {  	_ =	shalt  }
0x75: {  	_ =	shalt  }
0x76: {  	_ =	shalt  }
0x77: {  	_ =	shalt  }
0x78: {  	_ =	shalt  }
0x79: {  	_ =	shalt  }
0x7a: {  	_ =	shalt  }
0x7b: {  	_ =	shalt  }
0x7c: {  	_ =	shalt  }
0x7d: {  	_ =	shalt  }
0x7e: {  	_ =	shalt  }
0x7f: {  	_ =	shalt  }
0x80: {  	_ =	shalt  }
0x81: {  	_ =	shalt  }
0x82: {  	_ =	shalt  }
0x83: {  	_ =	shalt  }
0x84: {  	_ =	shalt  }
0x85: {  	_ =	shalt  }
0x86: {  	_ =	shalt  }
0x87: {  	_ =	shalt  }
.Lfunc_end0:
.L_simem_size_0:
called_computation.1_lowered:
.L_overlay_start_0:
0x88: {  	s2 =	sld [smem:$0x3FD9]  }
0x89: {  	s3 =	sld [smem:$0x3FFE];
	_ =	sdelay $0x1  }
0x8a: {  	s1 =	srdreg.scid  }
0x8b: {  	s0 =	sand.u32 $0x1, s1  }
0x8c: {  	s17 =	sshll.u32 s0, $0xA;
	s2 =	sadd.s32 s3, s2  }
0x8d: {  	s2 =	sadd.s32 s2, s17  }
0x8e: {  	[smem:$0x3FC7] =	sst s2  }
0x8f: {  	_ = 	snop  }
0x90: {  	s2 =	sld [smem:$0x3FC9]  }
0x91: {  	s18 =	sld [smem:$0x3FD0];
	(tm) =	ssettm $0x1  }
0x92: {  	s4 =	sld [smem:$0x3FFB];
	_ =	sdelay $0x3  }
0x93: {  	_ =	strace s4  }
0x94: {  	s4 =	sld [smem:$0x3FFC];
	_ =	sdelay $0x3  }
0x95: {  	_ =	strace s4  }
0x96: {  	s4 =	sld [smem:$0x3FFD];
	_ =	sdelay $0x3  }
0x97: {  	_ =	strace s4  }
0x98: {  	_ =	strace $0x8FFFFFFF  }
0x99: {  	s19 =	sld [smem:$0x3FDB];
	_ =	sdelay $0x1  }
0x9a: {  	s5 =	simm.s32 $_scs_section_size  }
0x9b: {  	s6 =	simm.s32 $_size__tile_overlayer_lowered;
	s7 =	simm.s32 $_tile_overlayer_lowered  }
0x9c: {  	s22 =	simm.s32 $0x1BFF;
	s21 =	sshll.u32 s7, $0x1;
	s4 =	sadd.s32 s5, s19  }
0x9d: {  	s8 =	simm.s32 $0x0;
	s20 =	sshll.u32 s6, $0x1;
	s6 =	sadd.s32 s21, s4  }
0x9e: {  	[timem:s8], [sflag:s22] =	dma.local [hbm:s6], s20  }
0x9f: {  	_ =	swait.ge [sflag:s22], s20  }
0xa0: {  	s5 =	ssub.s32 $0x0, s20;
	[sflag:s22] =	ssyncset.done $0x0  }
0xa1: {  	[sflag:s22] =	ssyncadd.s32 s5;
	_ =	sdelay $0x1  }
0xa2: {  	s23 =	simm.s32 $0x1B8B  }
0xa3: {  	_ =	swait.ge [sflag:s23], $0x1  }
0xa4: {  	[sflag:s23] =	ssyncset.done $0x0  }
0xa5: {  	s25 =	simm.s32 $0x1B8E;
	s24 =	sld [smem:$0x3FFE];
	[sflag:s23] =	ssyncadd.s32 $0xFFFFFFFF  }
0xa6: {  	s26 =	simm.s32 $execute0_lowered;
	[smem:$0x3FD2] =	sst s25  }
0xa7: {  	s6 =	sshll.u32 s26, $0x1;
	_ =	strace $0x80000046;
	[dreg:$0x1] =	wrdreg $0xFFFFFFFF  }
0xa8: {  	s28 =	simm.s32 $_size_execute0_lowered;
	s4 =	sadd.s32 s4, s6;
	[dreg:$0x0] =	wrdreg $0x0  }
0xa9: {  	s6 =	sshll.u32 s28, $0x1;
	[dreg:$0x2] =	wrdreg s4  }
0xaa: {  	[dreg:$0x3] =	wrdreg s6  }
0xab: {  	[dreg:$0x4] =	wrdreg $0xC0  }
0xac: {  	_ =	task [dreg:s8], $0x5FFFF  }
0xad: {  	[dreg:$0x1] =	wrdreg $0xFFFFFFFF  }
0xae: {  	[dreg:$0x0] =	wrdreg $0x60  }
0xaf: {  	[dreg:$0x2] =	wrdreg s2  }
0xb0: {  	[dreg:$0x3] =	wrdreg s18  }
0xb1: {  	[dreg:$0x4] =	wrdreg s24  }
0xb2: {  	[dreg:$0x5] =	wrdreg $0x9  }
0xb3: {  	_ =	task.clear_ibuf [dreg:s8], $0x6FFFF;
	_ =	strace $0x90000046  }
0xb4: {  	s29 =	simm.s32 $0x9;
	_ =	strace $0x80000048  }
0xb5: {  	_ =	swait.ge [sflag:s29], $0x1  }
0xb6: {  	[sflag:s29] =	ssyncadd.s32 $0xFFFFFFFF  }
0xb7: {  	_ =	strace $0x90000048  }
0xb8: {  	_ =	sfence  }
0xb9: {  	s30 =	sld [smem:$0x0];
	_ =	sdelay $0x2  }
0xba: {  	s31 =	sshll.u32 s1, $0xD;
	s1 =	sshrl.u32 s1, $0x2  }
0xbb: {  	s3 =	sand.u32 $0x4000, s31;
	s1 =	sadd.s32 s1, s30  }
0xbc: {  	s0 =	sor.u32 s3, s0;
	s1 =	sshll.u32 s1, $0x11  }
0xbd: {  	s0 =	sor.u32 s1, s0  }
0xbe: {  	s0 =	sadd.s32 $0x8F2B, s0  }
0xbf: {  	[sflag:s0] =	ssyncadd.remote.s32 $0x1  }
0xc0: {  	_ =	sfence.sel $0xFFFF  }
0xc1: {  	[dreg:$0x0] =	wrdreg $0xFFFFFFFF;
	(pc) =	sbr.abs _section_cstart, $3  }
0xc2: {  	[dreg:$0x1] =	wrdreg $0xFFFFFFFF  }
0xc3: {  	_ =	task.clear_ibuf [dreg:s8], $0x2FFFF;
	_ =	strace $0x9FFFFFFF  }
0xc4: {  	(tm) =	ssettm $0x7FFFFFFF  }
0xc5: {  	_ =	shalt  }
tec
execute0_lowered:
.L_overlay_start_1:
0x0: {  	(tag) =	ssettag $0x1  }
0x1: {  	s4 =	rddreg [dreg:$0x0]  }
0x2: {  	s2 =	rddreg [dreg:$0x1]  }
0x3: {  	s5 =	rddreg [dreg:$0x2];
	s3 =	srdreg.scid  }
0x4: {  	s0 =	rddreg [dreg:$0x3];
	s1 =	stileid.u32;
	s24 =	simm.s32 $0x10000  }
0x5: {  	s25 =	simm.s32 $0x1;
	s26 =	simm.s32 $0x80;
	s28 =	simm.s32 $0x400  }
0x6: {  	s29 =	simm.s32 $0x0;
	s6 =	sand.u32 $0x1, s3;
	s3 =	simm.s32 $0x0  }
0x7: {  	s7 =	sshll.u32 s1, $0x11;
	s8 =	sshll.u32 s6, $0x10;
	[smem:$0x7FF] =	sst s3  }
0x8: {  	s6 =	ssub.s32 $0x2, s6;
	s7 =	sor.u32 s8, s7;
	_ =	strace $0x80000047  }
0x9: {  	s31 =	sshrl.u32 s6, $0x1;
	s9 =	sshrl.u32 s7, $0x3;
	s22 =	sadd.s32 s7, s5  }
0xa: {  	s23 =	ssub.s32 s6, s31;
	s4 =	sadd.s32 s4, s9;
	s6 =	sadd.s32 $0x840, s22  }
0xb: {  	s7 =	sadd.s32 $0x860, s22;
	s8 =	sadd.s32 $0x800, s22;
	s9 =	sadd.s32 $0x200800, s22  }
0xc: {  	s5 =	sadd.s32 $0x820, s22;
	s10 =	sadd.s32 $0x200810, s22;
	s12 =	sadd.s32 $0x200820, s22  }
0xd: {  	s11 =	sadd.s32 $0x830, s22;
	s13 =	sadd.s32 $0x200830, s22;
	s15 =	sadd.s32 $0x200840, s22  }
0xe: {  	s14 =	sadd.s32 $0x850, s22;
	s16 =	sadd.s32 $0x200850, s22;
	s18 =	sadd.s32 $0x200860, s22  }
0xf: {  	s17 =	sadd.s32 $0x870, s22;
	s19 =	sadd.s32 $0x200870, s22;
	s20 =	sadd.s32 $0x810, s22  }
0x10: {  	v0 =	vimm.f32 $0.0e+00;
	v1 =	vimm.f32 $1.000000000e+00;
	s21 =	sadd.s32 $0x400800, s22;
	s22 =	sadd.s32 $0x400810, s22;
	s23 =	smax.u32 s23, $0x1  }
.LBB2_1:
0x11: {  	[tilespmem:s24], [sflag:$0x1] =	stream.linear.gather [hbm4b:s2+s3], $0xE00, $0x38;
	[tilespmem:$0x10E00] =	vst v63  }
0x12: {  	_ =	swait.ge [sflag:s25], $0xE00  }
0x13: {  	[sflag:s25] =	ssyncset.done $0x0  }
0x14: {  	[sflag:s25] =	ssyncadd.s32 $0xFFFFF200  }
0x15: {  	[tilespmem:s3], [sflag:$0x1] =	stream.linear.gather [hbm4b:s4+s3], $0x10000, $0x38;
	[tilespmem:$0x10E00] =	vst v63  }
0x16: {  	_ =	swait.ge [sflag:s25], $0x10000  }
0x17: {  	[sflag:s25] =	ssyncset.done $0x0  }
0x18: {  	s31 =	simm.s32 $0x0;
	s30 =	simm.s32 $0x40;
	[sflag:s25] =	ssyncadd.s32 $0xFFFF0000  }
.LBB2_2:
0x19: {  	p0 =	sne.s32 s30, $0x37C0;
	v2 =	vld [tilespmem:s31+$0x10000];
	_ =	sdelay $0x7  }
0x1a: {  	v3 =	vld.idx.msk [tilespmem:v2+s3+$0x0], $0xffff;
	_ =	sdelay $0x5  }
0x1b: {  	v3 =	vtrunc.f32 v3  }
.Ltmp0:
0x1c: {  	v3 =	vcvt.f32.s32 v3;
	(pc) =	sbr.rel @p0 .LBB2_2-.Ltmp0, $4  }
0x1d: {  	_ = 	snop  }
0x1e: {  	vm0 =	vlt.u32 v3, $0x4  }
0x1f: {  	v3 =	vsel vm0, $0x3F800000, v0  }
0x20: {  	s31 =	sshra.s32 s30, $0x2;
	s30 =	sadd.s32 $0x40, s30;
	[tilespmem:v2+s3+$0x0] =	vst.idx.msk $0xffff, v3  }
0x21: {  	v2 =	vld [tilespmem:s31+$0x10000];
	_ =	sdelay $0x7  }
0x22: {  	v3 =	vld.idx.msk [tilespmem:v2+s3+$0x0], $0xffff;
	_ =	sdelay $0x4  }
0x23: {  	v3 =	vtrunc.f32 v3  }
0x24: {  	v3 =	vcvt.f32.s32 v3;
	_ =	sdelay $0x1  }
0x25: {  	vm0 =	vlt.u32 v3, $0x4  }
0x26: {  	v3 =	vsel vm0, $0x3F800000, v0  }
0x27: {  	s30 =	simm.s32 $0x0;
	[tilespmem:v2+s3+$0x0] =	vst.idx.msk $0xffff, v3  }
0x28: {  	[hbm4b:s8+s26] =	stream.strided.scatter [tilespmem:s30], [sflag:$0x1], $0x10000, s28, s26, $0x38;
	[tilespmem:$0x10E00] =	vst v63  }
0x29: {  	_ =	swait.ge [sflag:s25], $0x10000  }
0x2a: {  	[sflag:s25] =	ssyncset.done $0x0  }
0x2b: {  	[sflag:s25] =	ssyncadd.s32 $0xFFFF0000  }
0x2c: {  	[tilespmem:s30], [sflag:$0x1] =	stream.linear.gather [hbm4b:s4+s30], $0x10000, $0x38;
	[tilespmem:$0x10E00] =	vst v63  }
0x2d: {  	_ =	swait.ge [sflag:s25], $0x10000  }
0x2e: {  	[sflag:s25] =	ssyncset.done $0x0  }
0x2f: {  	s31 =	simm.s32 $0x0;
	s30 =	simm.s32 $0x40;
	[sflag:s25] =	ssyncadd.s32 $0xFFFF0000  }
.LBB2_4:
0x30: {  	p0 =	sne.s32 s30, $0x37C0;
	v2 =	vld [tilespmem:s31+$0x10000];
	_ =	sdelay $0x7  }
0x31: {  	v3 =	vld.idx.msk [tilespmem:v2+s3+$0x0], $0xffff;
	_ =	sdelay $0x5  }
0x32: {  	v3 =	vtrunc.f32 v3  }
0x33: {  	v3 =	vcvt.f32.s32 v3  }
.Ltmp1:
0x34: {  	(pc) =	sbr.rel @p0 .LBB2_4-.Ltmp1, $4  }
0x35: {  	v3 =	vand.u32 $0xFFFFFFFC, v3  }
0x36: {  	vm0 =	veq.s32 v3, $0x4  }
0x37: {  	v3 =	vsel vm0, $0x3F800000, v0  }
0x38: {  	s31 =	sshra.s32 s30, $0x2;
	s30 =	sadd.s32 $0x40, s30;
	[tilespmem:v2+s3+$0x0] =	vst.idx.msk $0xffff, v3  }
0x39: {  	v2 =	vld [tilespmem:s31+$0x10000];
	_ =	sdelay $0x7  }
0x3a: {  	v3 =	vld.idx.msk [tilespmem:v2+s3+$0x0], $0xffff;
	_ =	sdelay $0x4  }
0x3b: {  	v3 =	vtrunc.f32 v3  }
0x3c: {  	v3 =	vcvt.f32.s32 v3;
	_ =	sdelay $0x1  }
0x3d: {  	v3 =	vand.u32 $0xFFFFFFFC, v3  }
0x3e: {  	vm0 =	veq.s32 v3, $0x4  }
0x3f: {  	v3 =	vsel vm0, $0x3F800000, v0  }
0x40: {  	s30 =	simm.s32 $0x0;
	[tilespmem:v2+s3+$0x0] =	vst.idx.msk $0xffff, v3  }
0x41: {  	[hbm4b:s20+s26] =	stream.strided.scatter [tilespmem:s30], [sflag:$0x1], $0x10000, s28, s26, $0x38;
	[tilespmem:$0x10E00] =	vst v63  }
0x42: {  	_ =	swait.ge [sflag:s25], $0x10000  }
0x43: {  	[sflag:s25] =	ssyncset.done $0x0  }
0x44: {  	[sflag:s25] =	ssyncadd.s32 $0xFFFF0000  }
0x45: {  	[tilespmem:s30], [sflag:$0x1] =	stream.linear.gather [hbm4b:s4+s30], $0x10000, $0x38;
	[tilespmem:$0x10E00] =	vst v63  }
0x46: {  	_ =	swait.ge [sflag:s25], $0x10000  }
0x47: {  	[sflag:s25] =	ssyncset.done $0x0  }
0x48: {  	s31 =	simm.s32 $0x0;
	s30 =	simm.s32 $0x40;
	[sflag:s25] =	ssyncadd.s32 $0xFFFF0000  }
.LBB2_6:
0x49: {  	p0 =	sne.s32 s30, $0x37C0;
	v2 =	vld [tilespmem:s31+$0x10000];
	_ =	sdelay $0x7  }
0x4a: {  	v3 =	vld.idx.msk [tilespmem:v2+s3+$0x0], $0xffff;
	_ =	sdelay $0x5  }
0x4b: {  	v3 =	vtrunc.f32 v3  }
0x4c: {  	v3 =	vcvt.f32.s32 v3  }
.Ltmp2:
0x4d: {  	(pc) =	sbr.rel @p0 .LBB2_6-.Ltmp2, $4  }
0x4e: {  	v3 =	vand.u32 $0xFFFFFFFC, v3  }
0x4f: {  	vm0 =	veq.s32 v3, $0x8  }
0x50: {  	v3 =	vsel vm0, $0x3F800000, v0  }
0x51: {  	s31 =	sshra.s32 s30, $0x2;
	s30 =	sadd.s32 $0x40, s30;
	[tilespmem:v2+s3+$0x0] =	vst.idx.msk $0xffff, v3  }
0x52: {  	v2 =	vld [tilespmem:s31+$0x10000];
	_ =	sdelay $0x7  }
0x53: {  	v3 =	vld.idx.msk [tilespmem:v2+s3+$0x0], $0xffff;
	_ =	sdelay $0x4  }
0x54: {  	v3 =	vtrunc.f32 v3  }
0x55: {  	v3 =	vcvt.f32.s32 v3;
	_ =	sdelay $0x1  }
0x56: {  	v3 =	vand.u32 $0xFFFFFFFC, v3  }
0x57: {  	vm0 =	veq.s32 v3, $0x8  }
0x58: {  	v3 =	vsel vm0, $0x3F800000, v0  }
0x59: {  	s30 =	simm.s32 $0x0;
	[tilespmem:v2+s3+$0x0] =	vst.idx.msk $0xffff, v3  }
0x5a: {  	[hbm4b:s5+s26] =	stream.strided.scatter [tilespmem:s30], [sflag:$0x1], $0x10000, s28, s26, $0x38;
	[tilespmem:$0x10E00] =	vst v63  }
0x5b: {  	_ =	swait.ge [sflag:s25], $0x10000  }
0x5c: {  	[sflag:s25] =	ssyncset.done $0x0  }
0x5d: {  	[sflag:s25] =	ssyncadd.s32 $0xFFFF0000  }
0x5e: {  	[tilespmem:s30], [sflag:$0x1] =	stream.linear.gather [hbm4b:s4+s30], $0x10000, $0x38;
	[tilespmem:$0x10E00] =	vst v63  }
0x5f: {  	_ =	swait.ge [sflag:s25], $0x10000  }
0x60: {  	[sflag:s25] =	ssyncset.done $0x0  }
0x61: {  	s31 =	simm.s32 $0x0;
	s30 =	simm.s32 $0x40;
	[sflag:s25] =	ssyncadd.s32 $0xFFFF0000  }
.LBB2_8:
0x62: {  	p0 =	sne.s32 s30, $0x37C0;
	v2 =	vld [tilespmem:s31+$0x10000];
	_ =	sdelay $0x7  }
0x63: {  	v3 =	vld.idx.msk [tilespmem:v2+s3+$0x0], $0xffff;
	_ =	sdelay $0x5  }
0x64: {  	v3 =	vtrunc.f32 v3  }
0x65: {  	v3 =	vcvt.f32.s32 v3  }
.Ltmp3:
0x66: {  	(pc) =	sbr.rel @p0 .LBB2_8-.Ltmp3, $4  }
0x67: {  	v3 =	vand.u32 $0xFFFFFFFC, v3  }
0x68: {  	vm0 =	veq.s32 v3, $0xC  }
0x69: {  	v3 =	vsel vm0, $0x3F800000, v0  }
0x6a: {  	s31 =	sshra.s32 s30, $0x2;
	s30 =	sadd.s32 $0x40, s30;
	[tilespmem:v2+s3+$0x0] =	vst.idx.msk $0xffff, v3  }
0x6b: {  	v2 =	vld [tilespmem:s31+$0x10000];
	_ =	sdelay $0x7  }
0x6c: {  	v3 =	vld.idx.msk [tilespmem:v2+s3+$0x0], $0xffff;
	_ =	sdelay $0x4  }
0x6d: {  	v3 =	vtrunc.f32 v3  }
0x6e: {  	v3 =	vcvt.f32.s32 v3;
	_ =	sdelay $0x1  }
0x6f: {  	v3 =	vand.u32 $0xFFFFFFFC, v3  }
0x70: {  	vm0 =	veq.s32 v3, $0xC  }
0x71: {  	v3 =	vsel vm0, $0x3F800000, v0  }
0x72: {  	s30 =	simm.s32 $0x0;
	[tilespmem:v2+s3+$0x0] =	vst.idx.msk $0xffff, v3  }
0x73: {  	[hbm4b:s11+s26] =	stream.strided.scatter [tilespmem:s30], [sflag:$0x1], $0x10000, s28, s26, $0x38;
	[tilespmem:$0x10E00] =	vst v63  }
0x74: {  	_ =	swait.ge [sflag:s25], $0x10000  }
0x75: {  	[sflag:s25] =	ssyncset.done $0x0  }
0x76: {  	[sflag:s25] =	ssyncadd.s32 $0xFFFF0000  }
0x77: {  	[tilespmem:s30], [sflag:$0x1] =	stream.linear.gather [hbm4b:s4+s30], $0x10000, $0x38;
	[tilespmem:$0x10E00] =	vst v63  }
0x78: {  	_ =	swait.ge [sflag:s25], $0x10000  }
0x79: {  	[sflag:s25] =	ssyncset.done $0x0  }
0x7a: {  	s31 =	simm.s32 $0x0;
	s30 =	simm.s32 $0x40;
	[sflag:s25] =	ssyncadd.s32 $0xFFFF0000  }
.LBB2_10:
0x7b: {  	p0 =	sne.s32 s30, $0x37C0;
	v2 =	vld [tilespmem:s31+$0x10000];
	_ =	sdelay $0x7  }
0x7c: {  	v3 =	vld.idx.msk [tilespmem:v2+s3+$0x0], $0xffff;
	_ =	sdelay $0x5  }
0x7d: {  	v3 =	vtrunc.f32 v3  }
0x7e: {  	v3 =	vcvt.f32.s32 v3  }
.Ltmp4:
0x7f: {  	(pc) =	sbr.rel @p0 .LBB2_10-.Ltmp4, $4  }
0x80: {  	v3 =	vand.u32 $0xFFFFFFFC, v3  }
0x81: {  	vm0 =	veq.s32 v3, $0x10  }
0x82: {  	v3 =	vsel vm0, $0x3F800000, v0  }
0x83: {  	s31 =	sshra.s32 s30, $0x2;
	s30 =	sadd.s32 $0x40, s30;
	[tilespmem:v2+s3+$0x0] =	vst.idx.msk $0xffff, v3  }
0x84: {  	v2 =	vld [tilespmem:s31+$0x10000];
	_ =	sdelay $0x7  }
0x85: {  	v3 =	vld.idx.msk [tilespmem:v2+s3+$0x0], $0xffff;
	_ =	sdelay $0x4  }
0x86: {  	v3 =	vtrunc.f32 v3  }
0x87: {  	v3 =	vcvt.f32.s32 v3;
	_ =	sdelay $0x1  }
0x88: {  	v3 =	vand.u32 $0xFFFFFFFC, v3  }
0x89: {  	vm0 =	veq.s32 v3, $0x10  }
0x8a: {  	v3 =	vsel vm0, $0x3F800000, v0  }
0x8b: {  	s30 =	simm.s32 $0x0;
	[tilespmem:v2+s3+$0x0] =	vst.idx.msk $0xffff, v3  }
0x8c: {  	[hbm4b:s6+s26] =	stream.strided.scatter [tilespmem:s30], [sflag:$0x1], $0x10000, s28, s26, $0x38;
	[tilespmem:$0x10E00] =	vst v63  }
0x8d: {  	_ =	swait.ge [sflag:s25], $0x10000  }
0x8e: {  	[sflag:s25] =	ssyncset.done $0x0  }
0x8f: {  	[sflag:s25] =	ssyncadd.s32 $0xFFFF0000  }
0x90: {  	[tilespmem:s30], [sflag:$0x1] =	stream.linear.gather [hbm4b:s4+s30], $0x10000, $0x38;
	[tilespmem:$0x10E00] =	vst v63  }
0x91: {  	_ =	swait.ge [sflag:s25], $0x10000  }
0x92: {  	[sflag:s25] =	ssyncset.done $0x0  }
0x93: {  	s31 =	simm.s32 $0x0;
	s30 =	simm.s32 $0x40;
	[sflag:s25] =	ssyncadd.s32 $0xFFFF0000  }
.LBB2_12:
0x94: {  	p0 =	sne.s32 s30, $0x37C0;
	v2 =	vld [tilespmem:s31+$0x10000];
	_ =	sdelay $0x7  }
0x95: {  	v3 =	vld.idx.msk [tilespmem:v2+s3+$0x0], $0xffff;
	_ =	sdelay $0x5  }
0x96: {  	v3 =	vtrunc.f32 v3  }
0x97: {  	v3 =	vcvt.f32.s32 v3  }
.Ltmp5:
0x98: {  	(pc) =	sbr.rel @p0 .LBB2_12-.Ltmp5, $4  }
0x99: {  	v3 =	vand.u32 $0xFFFFFFFC, v3  }
0x9a: {  	vm0 =	veq.s32 v3, $0x14  }
0x9b: {  	v3 =	vsel vm0, $0x3F800000, v0  }
0x9c: {  	s31 =	sshra.s32 s30, $0x2;
	s30 =	sadd.s32 $0x40, s30;
	[tilespmem:v2+s3+$0x0] =	vst.idx.msk $0xffff, v3  }
0x9d: {  	v2 =	vld [tilespmem:s31+$0x10000];
	_ =	sdelay $0x7  }
0x9e: {  	v3 =	vld.idx.msk [tilespmem:v2+s3+$0x0], $0xffff;
	_ =	sdelay $0x4  }
0x9f: {  	v3 =	vtrunc.f32 v3  }
0xa0: {  	v3 =	vcvt.f32.s32 v3;
	_ =	sdelay $0x1  }
0xa1: {  	v3 =	vand.u32 $0xFFFFFFFC, v3  }
0xa2: {  	vm0 =	veq.s32 v3, $0x14  }
0xa3: {  	v3 =	vsel vm0, $0x3F800000, v0  }
0xa4: {  	s30 =	simm.s32 $0x0;
	[tilespmem:v2+s3+$0x0] =	vst.idx.msk $0xffff, v3  }
0xa5: {  	[hbm4b:s14+s26] =	stream.strided.scatter [tilespmem:s30], [sflag:$0x1], $0x10000, s28, s26, $0x38;
	[tilespmem:$0x10E00] =	vst v63  }
0xa6: {  	_ =	swait.ge [sflag:s25], $0x10000  }
0xa7: {  	[sflag:s25] =	ssyncset.done $0x0  }
0xa8: {  	[sflag:s25] =	ssyncadd.s32 $0xFFFF0000  }
0xa9: {  	[tilespmem:s30], [sflag:$0x1] =	stream.linear.gather [hbm4b:s4+s30], $0x10000, $0x38;
	[tilespmem:$0x10E00] =	vst v63  }
0xaa: {  	_ =	swait.ge [sflag:s25], $0x10000  }
0xab: {  	[sflag:s25] =	ssyncset.done $0x0  }
0xac: {  	s31 =	simm.s32 $0x0;
	s30 =	simm.s32 $0x40;
	[sflag:s25] =	ssyncadd.s32 $0xFFFF0000  }
.LBB2_14:
0xad: {  	p0 =	sne.s32 s30, $0x37C0;
	v2 =	vld [tilespmem:s31+$0x10000];
	_ =	sdelay $0x7  }
0xae: {  	v3 =	vld.idx.msk [tilespmem:v2+s3+$0x0], $0xffff;
	_ =	sdelay $0x5  }
0xaf: {  	v3 =	vtrunc.f32 v3  }
0xb0: {  	v3 =	vcvt.f32.s32 v3  }
.Ltmp6:
0xb1: {  	(pc) =	sbr.rel @p0 .LBB2_14-.Ltmp6, $4  }
0xb2: {  	v3 =	vand.u32 $0xFFFFFFFC, v3  }
0xb3: {  	vm0 =	veq.s32 v3, $0x18  }
0xb4: {  	v3 =	vsel vm0, $0x3F800000, v0  }
0xb5: {  	s31 =	sshra.s32 s30, $0x2;
	s30 =	sadd.s32 $0x40, s30;
	[tilespmem:v2+s3+$0x0] =	vst.idx.msk $0xffff, v3  }
0xb6: {  	v2 =	vld [tilespmem:s31+$0x10000];
	_ =	sdelay $0x7  }
0xb7: {  	v3 =	vld.idx.msk [tilespmem:v2+s3+$0x0], $0xffff;
	_ =	sdelay $0x4  }
0xb8: {  	v3 =	vtrunc.f32 v3  }
0xb9: {  	v3 =	vcvt.f32.s32 v3;
	_ =	sdelay $0x1  }
0xba: {  	v3 =	vand.u32 $0xFFFFFFFC, v3  }
0xbb: {  	vm0 =	veq.s32 v3, $0x18  }
0xbc: {  	v3 =	vsel vm0, $0x3F800000, v0  }
0xbd: {  	s30 =	simm.s32 $0x0;
	[tilespmem:v2+s3+$0x0] =	vst.idx.msk $0xffff, v3  }
0xbe: {  	[hbm4b:s7+s26] =	stream.strided.scatter [tilespmem:s30], [sflag:$0x1], $0x10000, s28, s26, $0x38;
	[tilespmem:$0x10E00] =	vst v63  }
0xbf: {  	_ =	swait.ge [sflag:s25], $0x10000  }
0xc0: {  	[sflag:s25] =	ssyncset.done $0x0  }
0xc1: {  	[sflag:s25] =	ssyncadd.s32 $0xFFFF0000  }
0xc2: {  	[tilespmem:s30], [sflag:$0x1] =	stream.linear.gather [hbm4b:s4+s30], $0x10000, $0x38;
	[tilespmem:$0x10E00] =	vst v63  }
0xc3: {  	_ =	swait.ge [sflag:s25], $0x10000  }
0xc4: {  	[sflag:s25] =	ssyncset.done $0x0  }
0xc5: {  	s31 =	simm.s32 $0x0;
	s30 =	simm.s32 $0x40;
	[sflag:s25] =	ssyncadd.s32 $0xFFFF0000  }
.LBB2_16:
0xc6: {  	p0 =	sne.s32 s30, $0x37C0;
	v2 =	vld [tilespmem:s31+$0x10000];
	_ =	sdelay $0x7  }
0xc7: {  	v3 =	vld.idx.msk [tilespmem:v2+s3+$0x0], $0xffff;
	_ =	sdelay $0x5  }
0xc8: {  	v3 =	vtrunc.f32 v3  }
0xc9: {  	v3 =	vcvt.f32.s32 v3  }
.Ltmp7:
0xca: {  	(pc) =	sbr.rel @p0 .LBB2_16-.Ltmp7, $4  }
0xcb: {  	v3 =	vand.u32 $0xFFFFFFFC, v3  }
0xcc: {  	vm0 =	veq.s32 v3, $0x1C  }
0xcd: {  	v3 =	vsel vm0, $0x3F800000, v0  }
0xce: {  	s31 =	sshra.s32 s30, $0x2;
	s30 =	sadd.s32 $0x40, s30;
	[tilespmem:v2+s3+$0x0] =	vst.idx.msk $0xffff, v3  }
0xcf: {  	v2 =	vld [tilespmem:s31+$0x10000];
	_ =	sdelay $0x7  }
0xd0: {  	v3 =	vld.idx.msk [tilespmem:v2+s3+$0x0], $0xffff;
	_ =	sdelay $0x4  }
0xd1: {  	v3 =	vtrunc.f32 v3  }
0xd2: {  	v3 =	vcvt.f32.s32 v3;
	_ =	sdelay $0x1  }
0xd3: {  	v3 =	vand.u32 $0xFFFFFFFC, v3  }
0xd4: {  	vm0 =	veq.s32 v3, $0x1C  }
0xd5: {  	v3 =	vsel vm0, $0x3F800000, v0  }
0xd6: {  	s30 =	simm.s32 $0x0;
	[tilespmem:v2+s3+$0x0] =	vst.idx.msk $0xffff, v3  }
0xd7: {  	[hbm4b:s17+s26] =	stream.strided.scatter [tilespmem:s30], [sflag:$0x1], $0x10000, s28, s26, $0x38;
	[tilespmem:$0x10E00] =	vst v63  }
0xd8: {  	_ =	swait.ge [sflag:s25], $0x10000  }
0xd9: {  	[sflag:s25] =	ssyncset.done $0x0  }
0xda: {  	[sflag:s25] =	ssyncadd.s32 $0xFFFF0000  }
0xdb: {  	[tilespmem:s30], [sflag:$0x1] =	stream.linear.gather [hbm4b:s4+s30], $0x10000, $0x38;
	[tilespmem:$0x10E00] =	vst v63  }
0xdc: {  	_ =	swait.ge [sflag:s25], $0x10000  }
0xdd: {  	[sflag:s25] =	ssyncset.done $0x0  }
0xde: {  	s31 =	simm.s32 $0x0;
	s30 =	simm.s32 $0x40;
	[sflag:s25] =	ssyncadd.s32 $0xFFFF0000  }
.LBB2_18:
0xdf: {  	p0 =	sne.s32 s30, $0x37C0;
	v2 =	vld [tilespmem:s31+$0x10000];
	_ =	sdelay $0x7  }
0xe0: {  	v3 =	vld.idx.msk [tilespmem:v2+s3+$0x0], $0xffff;
	_ =	sdelay $0x5  }
0xe1: {  	v3 =	vtrunc.f32 v3  }
0xe2: {  	v3 =	vcvt.f32.s32 v3  }
.Ltmp8:
0xe3: {  	(pc) =	sbr.rel @p0 .LBB2_18-.Ltmp8, $4  }
0xe4: {  	v3 =	vand.u32 $0xFFFFFFFC, v3  }
0xe5: {  	vm0 =	veq.s32 v3, $0x20  }
0xe6: {  	v3 =	vsel vm0, $0x3F800000, v0  }
0xe7: {  	s31 =	sshra.s32 s30, $0x2;
	s30 =	sadd.s32 $0x40, s30;
	[tilespmem:v2+s3+$0x0] =	vst.idx.msk $0xffff, v3  }
0xe8: {  	v2 =	vld [tilespmem:s31+$0x10000];
	_ =	sdelay $0x7  }
0xe9: {  	v3 =	vld.idx.msk [tilespmem:v2+s3+$0x0], $0xffff;
	_ =	sdelay $0x4  }
0xea: {  	v3 =	vtrunc.f32 v3  }
0xeb: {  	v3 =	vcvt.f32.s32 v3;
	_ =	sdelay $0x1  }
0xec: {  	v3 =	vand.u32 $0xFFFFFFFC, v3  }
0xed: {  	vm0 =	veq.s32 v3, $0x20  }
0xee: {  	v3 =	vsel vm0, $0x3F800000, v0  }
0xef: {  	s30 =	simm.s32 $0x0;
	[tilespmem:v2+s3+$0x0] =	vst.idx.msk $0xffff, v3  }
0xf0: {  	[hbm4b:s9+s26] =	stream.strided.scatter [tilespmem:s30], [sflag:$0x1], $0x10000, s28, s26, $0x38;
	[tilespmem:$0x10E00] =	vst v63  }
0xf1: {  	_ =	swait.ge [sflag:s25], $0x10000  }
0xf2: {  	[sflag:s25] =	ssyncset.done $0x0  }
0xf3: {  	[sflag:s25] =	ssyncadd.s32 $0xFFFF0000  }
0xf4: {  	[tilespmem:s30], [sflag:$0x1] =	stream.linear.gather [hbm4b:s4+s30], $0x10000, $0x38;
	[tilespmem:$0x10E00] =	vst v63  }
0xf5: {  	_ =	swait.ge [sflag:s25], $0x10000  }
0xf6: {  	[sflag:s25] =	ssyncset.done $0x0  }
0xf7: {  	s31 =	simm.s32 $0x0;
	s30 =	simm.s32 $0x40;
	[sflag:s25] =	ssyncadd.s32 $0xFFFF0000  }
.LBB2_20:
0xf8: {  	p0 =	sne.s32 s30, $0x37C0;
	v2 =	vld [tilespmem:s31+$0x10000];
	_ =	sdelay $0x7  }
0xf9: {  	v3 =	vld.idx.msk [tilespmem:v2+s3+$0x0], $0xffff;
	_ =	sdelay $0x5  }
0xfa: {  	v3 =	vtrunc.f32 v3  }
0xfb: {  	v3 =	vcvt.f32.s32 v3  }
.Ltmp9:
0xfc: {  	(pc) =	sbr.rel @p0 .LBB2_20-.Ltmp9, $4  }
0xfd: {  	v3 =	vand.u32 $0xFFFFFFFC, v3  }
0xfe: {  	vm0 =	veq.s32 v3, $0x24  }
0xff: {  	v3 =	vsel vm0, $0x3F800000, v0  }
0x100: {  	s31 =	sshra.s32 s30, $0x2;
	s30 =	sadd.s32 $0x40, s30;
	[tilespmem:v2+s3+$0x0] =	vst.idx.msk $0xffff, v3  }
0x101: {  	v2 =	vld [tilespmem:s31+$0x10000];
	_ =	sdelay $0x7  }
0x102: {  	v3 =	vld.idx.msk [tilespmem:v2+s3+$0x0], $0xffff;
	_ =	sdelay $0x4  }
0x103: {  	v3 =	vtrunc.f32 v3  }
0x104: {  	v3 =	vcvt.f32.s32 v3;
	_ =	sdelay $0x1  }
0x105: {  	v3 =	vand.u32 $0xFFFFFFFC, v3  }
0x106: {  	vm0 =	veq.s32 v3, $0x24  }
0x107: {  	v3 =	vsel vm0, $0x3F800000, v0  }
0x108: {  	s30 =	simm.s32 $0x0;
	[tilespmem:v2+s3+$0x0] =	vst.idx.msk $0xffff, v3  }
0x109: {  	[hbm4b:s10+s26] =	stream.strided.scatter [tilespmem:s30], [sflag:$0x1], $0x10000, s28, s26, $0x38;
	[tilespmem:$0x10E00] =	vst v63  }
0x10a: {  	_ =	swait.ge [sflag:s25], $0x10000  }
0x10b: {  	[sflag:s25] =	ssyncset.done $0x0  }
0x10c: {  	[sflag:s25] =	ssyncadd.s32 $0xFFFF0000  }
0x10d: {  	[tilespmem:s30], [sflag:$0x1] =	stream.linear.gather [hbm4b:s4+s30], $0x10000, $0x38;
	[tilespmem:$0x10E00] =	vst v63  }
0x10e: {  	_ =	swait.ge [sflag:s25], $0x10000  }
0x10f: {  	[sflag:s25] =	ssyncset.done $0x0  }
0x110: {  	s31 =	simm.s32 $0x0;
	s30 =	simm.s32 $0x40;
	[sflag:s25] =	ssyncadd.s32 $0xFFFF0000  }
.LBB2_22:
0x111: {  	p0 =	sne.s32 s30, $0x37C0;
	v2 =	vld [tilespmem:s31+$0x10000];
	_ =	sdelay $0x7  }
0x112: {  	v3 =	vld.idx.msk [tilespmem:v2+s3+$0x0], $0xffff;
	_ =	sdelay $0x5  }
0x113: {  	v3 =	vtrunc.f32 v3  }
0x114: {  	v3 =	vcvt.f32.s32 v3  }
.Ltmp10:
0x115: {  	(pc) =	sbr.rel @p0 .LBB2_22-.Ltmp10, $4  }
0x116: {  	v3 =	vand.u32 $0xFFFFFFFC, v3  }
0x117: {  	vm0 =	veq.s32 v3, $0x28  }
0x118: {  	v3 =	vsel vm0, $0x3F800000, v0  }
0x119: {  	s31 =	sshra.s32 s30, $0x2;
	s30 =	sadd.s32 $0x40, s30;
	[tilespmem:v2+s3+$0x0] =	vst.idx.msk $0xffff, v3  }
0x11a: {  	v2 =	vld [tilespmem:s31+$0x10000];
	_ =	sdelay $0x7  }
0x11b: {  	v3 =	vld.idx.msk [tilespmem:v2+s3+$0x0], $0xffff;
	_ =	sdelay $0x4  }
0x11c: {  	v3 =	vtrunc.f32 v3  }
0x11d: {  	v3 =	vcvt.f32.s32 v3;
	_ =	sdelay $0x1  }
0x11e: {  	v3 =	vand.u32 $0xFFFFFFFC, v3  }
0x11f: {  	vm0 =	veq.s32 v3, $0x28  }
0x120: {  	v3 =	vsel vm0, $0x3F800000, v0  }
0x121: {  	s30 =	simm.s32 $0x0;
	[tilespmem:v2+s3+$0x0] =	vst.idx.msk $0xffff, v3  }
0x122: {  	[hbm4b:s12+s26] =	stream.strided.scatter [tilespmem:s30], [sflag:$0x1], $0x10000, s28, s26, $0x38;
	[tilespmem:$0x10E00] =	vst v63  }
0x123: {  	_ =	swait.ge [sflag:s25], $0x10000  }
0x124: {  	[sflag:s25] =	ssyncset.done $0x0  }
0x125: {  	[sflag:s25] =	ssyncadd.s32 $0xFFFF0000  }
0x126: {  	[tilespmem:s30], [sflag:$0x1] =	stream.linear.gather [hbm4b:s4+s30], $0x10000, $0x38;
	[tilespmem:$0x10E00] =	vst v63  }
0x127: {  	_ =	swait.ge [sflag:s25], $0x10000  }
0x128: {  	[sflag:s25] =	ssyncset.done $0x0  }
0x129: {  	s31 =	simm.s32 $0x0;
	s30 =	simm.s32 $0x40;
	[sflag:s25] =	ssyncadd.s32 $0xFFFF0000  }
.LBB2_24:
0x12a: {  	p0 =	sne.s32 s30, $0x37C0;
	v2 =	vld [tilespmem:s31+$0x10000];
	_ =	sdelay $0x7  }
0x12b: {  	v3 =	vld.idx.msk [tilespmem:v2+s3+$0x0], $0xffff;
	_ =	sdelay $0x5  }
0x12c: {  	v3 =	vtrunc.f32 v3  }
0x12d: {  	v3 =	vcvt.f32.s32 v3  }
.Ltmp11:
0x12e: {  	(pc) =	sbr.rel @p0 .LBB2_24-.Ltmp11, $4  }
0x12f: {  	v3 =	vand.u32 $0xFFFFFFFC, v3  }
0x130: {  	vm0 =	veq.s32 v3, $0x2C  }
0x131: {  	v3 =	vsel vm0, $0x3F800000, v0  }
0x132: {  	s31 =	sshra.s32 s30, $0x2;
	s30 =	sadd.s32 $0x40, s30;
	[tilespmem:v2+s3+$0x0] =	vst.idx.msk $0xffff, v3  }
0x133: {  	v2 =	vld [tilespmem:s31+$0x10000];
	_ =	sdelay $0x7  }
0x134: {  	v3 =	vld.idx.msk [tilespmem:v2+s3+$0x0], $0xffff;
	_ =	sdelay $0x4  }
0x135: {  	v3 =	vtrunc.f32 v3  }
0x136: {  	v3 =	vcvt.f32.s32 v3;
	_ =	sdelay $0x1  }
0x137: {  	v3 =	vand.u32 $0xFFFFFFFC, v3  }
0x138: {  	vm0 =	veq.s32 v3, $0x2C  }
0x139: {  	v3 =	vsel vm0, $0x3F800000, v0  }
0x13a: {  	s30 =	simm.s32 $0x0;
	[tilespmem:v2+s3+$0x0] =	vst.idx.msk $0xffff, v3  }
0x13b: {  	[hbm4b:s13+s26] =	stream.strided.scatter [tilespmem:s30], [sflag:$0x1], $0x10000, s28, s26, $0x38;
	[tilespmem:$0x10E00] =	vst v63  }
0x13c: {  	_ =	swait.ge [sflag:s25], $0x10000  }
0x13d: {  	[sflag:s25] =	ssyncset.done $0x0  }
0x13e: {  	[sflag:s25] =	ssyncadd.s32 $0xFFFF0000  }
0x13f: {  	[tilespmem:s30], [sflag:$0x1] =	stream.linear.gather [hbm4b:s4+s30], $0x10000, $0x38;
	[tilespmem:$0x10E00] =	vst v63  }
0x140: {  	_ =	swait.ge [sflag:s25], $0x10000  }
0x141: {  	[sflag:s25] =	ssyncset.done $0x0  }
0x142: {  	s31 =	simm.s32 $0x0;
	s30 =	simm.s32 $0x40;
	[sflag:s25] =	ssyncadd.s32 $0xFFFF0000  }
.LBB2_26:
0x143: {  	p0 =	sne.s32 s30, $0x37C0;
	v2 =	vld [tilespmem:s31+$0x10000];
	_ =	sdelay $0x7  }
0x144: {  	v3 =	vld.idx.msk [tilespmem:v2+s3+$0x0], $0xffff;
	_ =	sdelay $0x5  }
0x145: {  	v3 =	vtrunc.f32 v3  }
0x146: {  	v3 =	vcvt.f32.s32 v3  }
.Ltmp12:
0x147: {  	(pc) =	sbr.rel @p0 .LBB2_26-.Ltmp12, $4  }
0x148: {  	v3 =	vand.u32 $0xFFFFFFFC, v3  }
0x149: {  	vm0 =	veq.s32 v3, $0x30  }
0x14a: {  	v3 =	vsel vm0, $0x3F800000, v0  }
0x14b: {  	s31 =	sshra.s32 s30, $0x2;
	s30 =	sadd.s32 $0x40, s30;
	[tilespmem:v2+s3+$0x0] =	vst.idx.msk $0xffff, v3  }
0x14c: {  	v2 =	vld [tilespmem:s31+$0x10000];
	_ =	sdelay $0x7  }
0x14d: {  	v3 =	vld.idx.msk [tilespmem:v2+s3+$0x0], $0xffff;
	_ =	sdelay $0x4  }
0x14e: {  	v3 =	vtrunc.f32 v3  }
0x14f: {  	v3 =	vcvt.f32.s32 v3;
	_ =	sdelay $0x1  }
0x150: {  	v3 =	vand.u32 $0xFFFFFFFC, v3  }
0x151: {  	vm0 =	veq.s32 v3, $0x30  }
0x152: {  	v3 =	vsel vm0, $0x3F800000, v0  }
0x153: {  	s30 =	simm.s32 $0x0;
	[tilespmem:v2+s3+$0x0] =	vst.idx.msk $0xffff, v3  }
0x154: {  	[hbm4b:s15+s26] =	stream.strided.scatter [tilespmem:s30], [sflag:$0x1], $0x10000, s28, s26, $0x38;
	[tilespmem:$0x10E00] =	vst v63  }
0x155: {  	_ =	swait.ge [sflag:s25], $0x10000  }
0x156: {  	[sflag:s25] =	ssyncset.done $0x0  }
0x157: {  	[sflag:s25] =	ssyncadd.s32 $0xFFFF0000  }
0x158: {  	[tilespmem:s30], [sflag:$0x1] =	stream.linear.gather [hbm4b:s4+s30], $0x10000, $0x38;
	[tilespmem:$0x10E00] =	vst v63  }
0x159: {  	_ =	swait.ge [sflag:s25], $0x10000  }
0x15a: {  	[sflag:s25] =	ssyncset.done $0x0  }
0x15b: {  	s31 =	simm.s32 $0x0;
	s30 =	simm.s32 $0x40;
	[sflag:s25] =	ssyncadd.s32 $0xFFFF0000  }
.LBB2_28:
0x15c: {  	p0 =	sne.s32 s30, $0x37C0;
	v2 =	vld [tilespmem:s31+$0x10000];
	_ =	sdelay $0x7  }
0x15d: {  	v3 =	vld.idx.msk [tilespmem:v2+s3+$0x0], $0xffff;
	_ =	sdelay $0x5  }
0x15e: {  	v3 =	vtrunc.f32 v3  }
0x15f: {  	v3 =	vcvt.f32.s32 v3  }
.Ltmp13:
0x160: {  	(pc) =	sbr.rel @p0 .LBB2_28-.Ltmp13, $4  }
0x161: {  	v3 =	vand.u32 $0x3, v3  }
0x162: {  	vm0 =	veq.s32 v3, $0x0  }
0x163: {  	v3 =	vsel vm0, $0x3F800000, v0  }
0x164: {  	s31 =	sshra.s32 s30, $0x2;
	s30 =	sadd.s32 $0x40, s30;
	[tilespmem:v2+s3+$0x0] =	vst.idx.msk $0xffff, v3  }
0x165: {  	v2 =	vld [tilespmem:s31+$0x10000];
	_ =	sdelay $0x7  }
0x166: {  	v3 =	vld.idx.msk [tilespmem:v2+s3+$0x0], $0xffff;
	_ =	sdelay $0x4  }
0x167: {  	v3 =	vtrunc.f32 v3  }
0x168: {  	v3 =	vcvt.f32.s32 v3;
	_ =	sdelay $0x1  }
0x169: {  	v3 =	vand.u32 $0x3, v3  }
0x16a: {  	vm0 =	veq.s32 v3, $0x0  }
0x16b: {  	v3 =	vsel vm0, $0x3F800000, v0  }
0x16c: {  	s30 =	simm.s32 $0x0;
	[tilespmem:v2+s3+$0x0] =	vst.idx.msk $0xffff, v3  }
0x16d: {  	[hbm4b:s16+s26] =	stream.strided.scatter [tilespmem:s30], [sflag:$0x1], $0x10000, s28, s26, $0x38;
	[tilespmem:$0x10E00] =	vst v63  }
0x16e: {  	_ =	swait.ge [sflag:s25], $0x10000  }
0x16f: {  	[sflag:s25] =	ssyncset.done $0x0  }
0x170: {  	[sflag:s25] =	ssyncadd.s32 $0xFFFF0000  }
0x171: {  	[tilespmem:s30], [sflag:$0x1] =	stream.linear.gather [hbm4b:s4+s30], $0x10000, $0x38;
	[tilespmem:$0x10E00] =	vst v63  }
0x172: {  	_ =	swait.ge [sflag:s25], $0x10000  }
0x173: {  	[sflag:s25] =	ssyncset.done $0x0  }
0x174: {  	s31 =	simm.s32 $0x0;
	s30 =	simm.s32 $0x40;
	[sflag:s25] =	ssyncadd.s32 $0xFFFF0000  }
.LBB2_30:
0x175: {  	p0 =	sne.s32 s30, $0x37C0;
	v2 =	vld [tilespmem:s31+$0x10000];
	_ =	sdelay $0x7  }
0x176: {  	v3 =	vld.idx.msk [tilespmem:v2+s3+$0x0], $0xffff;
	_ =	sdelay $0x5  }
0x177: {  	v3 =	vtrunc.f32 v3  }
0x178: {  	v3 =	vcvt.f32.s32 v3  }
.Ltmp14:
0x179: {  	(pc) =	sbr.rel @p0 .LBB2_30-.Ltmp14, $4  }
0x17a: {  	v3 =	vand.u32 $0x3, v3  }
0x17b: {  	vm0 =	veq.s32 v3, $0x1  }
0x17c: {  	v3 =	vsel vm0, $0x3F800000, v0  }
0x17d: {  	s31 =	sshra.s32 s30, $0x2;
	s30 =	sadd.s32 $0x40, s30;
	[tilespmem:v2+s3+$0x0] =	vst.idx.msk $0xffff, v3  }
0x17e: {  	v2 =	vld [tilespmem:s31+$0x10000];
	_ =	sdelay $0x7  }
0x17f: {  	v3 =	vld.idx.msk [tilespmem:v2+s3+$0x0], $0xffff;
	_ =	sdelay $0x4  }
0x180: {  	v3 =	vtrunc.f32 v3  }
0x181: {  	v3 =	vcvt.f32.s32 v3;
	_ =	sdelay $0x1  }
0x182: {  	v3 =	vand.u32 $0x3, v3  }
0x183: {  	vm0 =	veq.s32 v3, $0x1  }
0x184: {  	v3 =	vsel vm0, $0x3F800000, v0  }
0x185: {  	s30 =	simm.s32 $0x0;
	[tilespmem:v2+s3+$0x0] =	vst.idx.msk $0xffff, v3  }
0x186: {  	[hbm4b:s18+s26] =	stream.strided.scatter [tilespmem:s30], [sflag:$0x1], $0x10000, s28, s26, $0x38;
	[tilespmem:$0x10E00] =	vst v63  }
0x187: {  	_ =	swait.ge [sflag:s25], $0x10000  }
0x188: {  	[sflag:s25] =	ssyncset.done $0x0  }
0x189: {  	[sflag:s25] =	ssyncadd.s32 $0xFFFF0000  }
0x18a: {  	[tilespmem:s30], [sflag:$0x1] =	stream.linear.gather [hbm4b:s4+s30], $0x10000, $0x38;
	[tilespmem:$0x10E00] =	vst v63  }
0x18b: {  	_ =	swait.ge [sflag:s25], $0x10000  }
0x18c: {  	[sflag:s25] =	ssyncset.done $0x0  }
0x18d: {  	s31 =	simm.s32 $0x0;
	s30 =	simm.s32 $0x40;
	[sflag:s25] =	ssyncadd.s32 $0xFFFF0000  }
.LBB2_32:
0x18e: {  	p0 =	sne.s32 s30, $0x37C0;
	v2 =	vld [tilespmem:s31+$0x10000];
	_ =	sdelay $0x7  }
0x18f: {  	v3 =	vld.idx.msk [tilespmem:v2+s3+$0x0], $0xffff;
	_ =	sdelay $0x5  }
0x190: {  	v3 =	vtrunc.f32 v3  }
0x191: {  	v3 =	vcvt.f32.s32 v3  }
.Ltmp15:
0x192: {  	(pc) =	sbr.rel @p0 .LBB2_32-.Ltmp15, $4  }
0x193: {  	v3 =	vand.u32 $0x3, v3  }
0x194: {  	vm0 =	veq.s32 v3, $0x2  }
0x195: {  	v3 =	vsel vm0, $0x3F800000, v0  }
0x196: {  	s31 =	sshra.s32 s30, $0x2;
	s30 =	sadd.s32 $0x40, s30;
	[tilespmem:v2+s3+$0x0] =	vst.idx.msk $0xffff, v3  }
0x197: {  	v2 =	vld [tilespmem:s31+$0x10000];
	_ =	sdelay $0x7  }
0x198: {  	v3 =	vld.idx.msk [tilespmem:v2+s3+$0x0], $0xffff;
	_ =	sdelay $0x4  }
0x199: {  	v3 =	vtrunc.f32 v3  }
0x19a: {  	v3 =	vcvt.f32.s32 v3;
	_ =	sdelay $0x1  }
0x19b: {  	v3 =	vand.u32 $0x3, v3  }
0x19c: {  	vm0 =	veq.s32 v3, $0x2  }
0x19d: {  	v3 =	vsel vm0, $0x3F800000, v0  }
0x19e: {  	s30 =	simm.s32 $0x0;
	[tilespmem:v2+s3+$0x0] =	vst.idx.msk $0xffff, v3  }
0x19f: {  	[hbm4b:s19+s26] =	stream.strided.scatter [tilespmem:s30], [sflag:$0x1], $0x10000, s28, s26, $0x38;
	[tilespmem:$0x10E00] =	vst v63  }
0x1a0: {  	_ =	swait.ge [sflag:s25], $0x10000  }
0x1a1: {  	[sflag:s25] =	ssyncset.done $0x0  }
0x1a2: {  	[sflag:s25] =	ssyncadd.s32 $0xFFFF0000  }
0x1a3: {  	[tilespmem:s30], [sflag:$0x1] =	stream.linear.gather [hbm4b:s4+s30], $0x10000, $0x38;
	[tilespmem:$0x10E00] =	vst v63  }
0x1a4: {  	_ =	swait.ge [sflag:s25], $0x10000  }
0x1a5: {  	[sflag:s25] =	ssyncset.done $0x0  }
0x1a6: {  	s31 =	simm.s32 $0x0;
	s30 =	simm.s32 $0x40;
	[sflag:s25] =	ssyncadd.s32 $0xFFFF0000  }
.LBB2_34:
0x1a7: {  	p0 =	sne.s32 s30, $0x37C0;
	v2 =	vld [tilespmem:s31+$0x10000];
	_ =	sdelay $0x7  }
0x1a8: {  	v3 =	vld.idx.msk [tilespmem:v2+s3+$0x0], $0xffff;
	_ =	sdelay $0x5  }
0x1a9: {  	v3 =	vtrunc.f32 v3  }
0x1aa: {  	v3 =	vcvt.f32.s32 v3  }
.Ltmp16:
0x1ab: {  	(pc) =	sbr.rel @p0 .LBB2_34-.Ltmp16, $4  }
0x1ac: {  	v3 =	vand.u32 $0x3, v3  }
0x1ad: {  	vm0 =	veq.s32 v3, $0x3  }
0x1ae: {  	v3 =	vsel vm0, $0x3F800000, v0  }
0x1af: {  	s31 =	sshra.s32 s30, $0x2;
	s30 =	sadd.s32 $0x40, s30;
	[tilespmem:v2+s3+$0x0] =	vst.idx.msk $0xffff, v3  }
0x1b0: {  	v2 =	vld [tilespmem:s31+$0x10000];
	_ =	sdelay $0x7  }
0x1b1: {  	v3 =	vld.idx.msk [tilespmem:v2+s3+$0x0], $0xffff;
	_ =	sdelay $0x4  }
0x1b2: {  	v3 =	vtrunc.f32 v3  }
0x1b3: {  	v3 =	vcvt.f32.s32 v3;
	_ =	sdelay $0x1  }
0x1b4: {  	v3 =	vand.u32 $0x3, v3  }
0x1b5: {  	vm0 =	veq.s32 v3, $0x3  }
0x1b6: {  	v3 =	vsel vm0, $0x3F800000, v0  }
0x1b7: {  	s30 =	simm.s32 $0x0;
	[tilespmem:v2+s3+$0x0] =	vst.idx.msk $0xffff, v3  }
0x1b8: {  	[hbm4b:s21+s26] =	stream.strided.scatter [tilespmem:s30], [sflag:$0x1], $0x10000, s28, s26, $0x38;
	[tilespmem:$0x10E00] =	vst v63  }
0x1b9: {  	_ =	swait.ge [sflag:s25], $0x10000  }
0x1ba: {  	[sflag:s25] =	ssyncset.done $0x0  }
0x1bb: {  	[sflag:s25] =	ssyncadd.s32 $0xFFFF0000  }
0x1bc: {  	[tilespmem:s30], [sflag:$0x1] =	stream.linear.gather [hbm4b:s4+s30], $0x10000, $0x38;
	[tilespmem:$0x10E00] =	vst v63  }
0x1bd: {  	_ =	swait.ge [sflag:s25], $0x10000  }
0x1be: {  	[sflag:s25] =	ssyncset.done $0x0  }
0x1bf: {  	s31 =	simm.s32 $0x0;
	s30 =	simm.s32 $0x40;
	[sflag:s25] =	ssyncadd.s32 $0xFFFF0000  }
.LBB2_36:
0x1c0: {  	p0 =	sne.s32 s30, $0x37C0;
	v2 =	vld [tilespmem:s31+$0x10000];
	_ =	sdelay $0x3  }
.Ltmp17:
0x1c1: {  	(pc) =	sbr.rel @p0 .LBB2_36-.Ltmp17, $2  }
0x1c2: {  	_ =	sdelay $0x2  }
0x1c3: {  	s31 =	sshra.s32 s30, $0x2;
	s30 =	sadd.s32 $0x40, s30;
	[tilespmem:v2+s3+$0x0] =	vst.idx.msk $0xffff, v1  }
0x1c4: {  	v2 =	vld [tilespmem:s31+$0x10000];
	_ =	sdelay $0x5  }
0x1c5: {  	s29 =	sadd.s32 $0x1, s29  }
0x1c6: {  	p0 =	sne.s32 s29, s23  }
.Ltmp18:
0x1c7: {  	[tilespmem:v2+s3+$0x0] =	vst.idx.msk $0xffff, v1;
	(pc) =	sbr.rel @p0 .LBB2_1-.Ltmp18, $4  }
0x1c8: {  	[hbm4b:s22+s26] =	stream.strided.scatter [tilespmem:s3], [sflag:$0x1], $0x10000, s28, s26, $0x38;
	[tilespmem:$0x10E00] =	vst v63  }
0x1c9: {  	_ =	swait.ge [sflag:s25], $0x10000  }
0x1ca: {  	[sflag:s25] =	ssyncset.done $0x0  }
0x1cb: {  	[sflag:s25] =	ssyncadd.s32 $0xFFFF0000  }
0x1cc: {  	_ =	sfence.sel $0x180000  }
0x1cd: {  	[bflag:$0x0] =	sbarrier.arrive $0xFFFF  }
0x1ce: {  	p0 =	sne.s32 s1, $0x0;
	_ =	strace $0x90000047  }
0x1cf: {  	s0 =	sadd.s32 @!p0 $0x100000, s0;
	[bflag:$0x2] =	sbarrier.arrive $0xFFFF  }
0x1d0: {  	[sflag:s0] =	ssyncadd.tile.s32 @!p0 $0x1;
	_ =	shalt  }
.Lfunc_end2:
_tile_overlayer_lowered:
.L_overlay_start_2:
0x1d1: {  	(tag) =	ssettag $0x2  }
0x1d2: {  	s0 =	rddreg [dreg:$0x0];
	s2 =	stileid.u32  }
0x1d3: {  	s1 =	rddreg [dreg:$0x1];
	p0 =	sne.s32 s2, $0x0  }
0x1d4: {  	s3 =	rddreg [dreg:$0x2];
	[bflag:$0x3] =	sbarrier.arrive $0xFFFF;
	s2 =	simm.s32 @!p0 $0x1C01  }
0x1d5: {  	[timem:s3], [sflag:s2] =	dma.local @!p0 [hbm:s0], s1  }
0x1d6: {  	s0 =	simm.s32 @!p0 $0x1  }
0x1d7: {  	_ =	swait.ge @!p0 [sflag:s0], s1  }
0x1d8: {  	s1 =	ssub.s32 @!p0 $0x0, s1;
	[sflag:s0] =	ssyncset.done @!p0 $0x0  }
0x1d9: {  	[sflag:s0] =	ssyncadd.s32 @!p0 s1  }
0x1da: {  	[bflag:$0x3] =	sbarrier.arrive $0xFFFF  }
0x1db: {  	_ =	shalt  }

// kernel: sparse-core-data-format-call.cloned.1.call-start
scs
called_computation_lowered:
.L_overlay_start_0:
0x0: {  	s1 =	sld [smem:$0x3FD9]  }
0x1: {  	s2 =	sld [smem:$0x3FFE];
	_ =	sdelay $0x1  }
0x2: {  	s3 =	srdreg.scid  }
0x3: {  	s0 =	sand.u32 $0x1, s3  }
0x4: {  	s17 =	sshll.u32 s0, $0xA;
	s1 =	sadd.s32 s2, s1  }
0x5: {  	s1 =	sadd.s32 s1, s17  }
0x6: {  	[smem:$0x3FC7] =	sst s1  }
0x7: {  	_ = 	snop  }
0x8: {  	(tm) =	ssettm $0x1  }
0x9: {  	s18 =	sld [smem:$0x3FFB];
	_ =	sdelay $0x3  }
0xa: {  	_ =	strace s18  }
0xb: {  	s1 =	sld [smem:$0x3FFC];
	_ =	sdelay $0x3  }
0xc: {  	_ =	strace s1  }
0xd: {  	s1 =	sld [smem:$0x3FFD];
	_ =	sdelay $0x3  }
0xe: {  	_ =	strace s1  }
0xf: {  	_ =	strace $0x8FFFFFFF  }
0x10: {  	s19 =	sld [smem:$0x3FDB];
	_ =	sdelay $0x1  }
0x11: {  	s20 =	simm.s32 $_scs_section_size  }
0x12: {  	s4 =	simm.s32 $_size__tile_overlayer_lowered;
	s5 =	simm.s32 $_tile_overlayer_lowered  }
0x13: {  	s23 =	simm.s32 $0x1BFF;
	s22 =	sshll.u32 s5, $0x1;
	s1 =	sadd.s32 s20, s19  }
0x14: {  	s6 =	simm.s32 $0x0;
	s21 =	sshll.u32 s4, $0x1;
	s4 =	sadd.s32 s22, s1  }
0x15: {  	[timem:s6], [sflag:s23] =	dma.local [hbm:s4], s21  }
0x16: {  	_ =	swait.ge [sflag:s23], s21  }
0x17: {  	s2 =	ssub.s32 $0x0, s21;
	[sflag:s23] =	ssyncset.done $0x0  }
0x18: {  	[sflag:s23] =	ssyncadd.s32 s2;
	_ =	sdelay $0x1  }
0x19: {  	s24 =	simm.s32 $0x1B8B  }
0x1a: {  	_ =	swait.ge [sflag:s24], $0x1  }
0x1b: {  	[sflag:s24] =	ssyncset.done $0x0  }
0x1c: {  	s26 =	simm.s32 $0x1B8E;
	s25 =	sld [smem:$0x3FFE];
	[sflag:s24] =	ssyncadd.s32 $0xFFFFFFFF  }
0x1d: {  	s27 =	simm.s32 $execute0_lowered;
	[smem:$0x3FD2] =	sst s26  }
0x1e: {  	s4 =	sshll.u32 s27, $0x1;
	_ =	strace $0x80000049;
	[dreg:$0x1] =	wrdreg $0xFFFFFFFF  }
0x1f: {  	s28 =	simm.s32 $_size_execute0_lowered;
	s1 =	sadd.s32 s1, s4;
	[dreg:$0x0] =	wrdreg $0x0  }
0x20: {  	s4 =	sshll.u32 s28, $0x1;
	[dreg:$0x2] =	wrdreg s1  }
0x21: {  	[dreg:$0x3] =	wrdreg s4  }
0x22: {  	[dreg:$0x4] =	wrdreg $0xC0  }
0x23: {  	_ =	task [dreg:s6], $0x5FFFF  }
0x24: {  	[dreg:$0x1] =	wrdreg $0xFFFFFFFF  }
0x25: {  	[dreg:$0x0] =	wrdreg $0x60  }
0x26: {  	[dreg:$0x2] =	wrdreg s25  }
0x27: {  	[dreg:$0x3] =	wrdreg $0x9  }
0x28: {  	_ =	task.clear_ibuf [dreg:s6], $0x4FFFF;
	_ =	strace $0x90000049  }
0x29: {  	s29 =	simm.s32 $0x9;
	_ =	strace $0x8000004B  }
0x2a: {  	_ =	swait.ge [sflag:s29], $0x1  }
0x2b: {  	[sflag:s29] =	ssyncadd.s32 $0xFFFFFFFF  }
0x2c: {  	_ =	strace $0x9000004B  }
0x2d: {  	_ =	sfence  }
0x2e: {  	s30 =	sld [smem:$0x0];
	_ =	sdelay $0x2  }
0x2f: {  	s31 =	sshll.u32 s3, $0xD;
	s3 =	sshrl.u32 s3, $0x2  }
0x30: {  	s2 =	sand.u32 $0x4000, s31;
	s1 =	sadd.s32 s3, s30  }
0x31: {  	s0 =	sor.u32 s2, s0;
	s1 =	sshll.u32 s1, $0x11  }
0x32: {  	s0 =	sor.u32 s1, s0  }
0x33: {  	s0 =	sadd.s32 $0x8F2B, s0  }
0x34: {  	[sflag:s0] =	ssyncadd.remote.s32 $0x1  }
0x35: {  	_ =	sfence.sel $0xFFFF  }
0x36: {  	[dreg:$0x0] =	wrdreg $0xFFFFFFFF;
	(pc) =	sbr.abs _section_cstart, $3  }
0x37: {  	[dreg:$0x1] =	wrdreg $0xFFFFFFFF  }
0x38: {  	_ =	task.clear_ibuf [dreg:s6], $0x2FFFF;
	_ =	strace $0x9FFFFFFF  }
0x39: {  	(tm) =	ssettm $0x7FFFFFFF  }
tec
execute0_lowered:
.L_overlay_start_1:
0x0: {  	(tag) =	ssettag $0x1  }
0x1: {  	s0 =	srdreg.scid  }
0x2: {  	s1 =	sshll.u32 s0, $0x4  }
0x3: {  	s0 =	stileid.u32;
	s1 =	sand.u32 $0x10, s1  }
0x4: {  	s6 =	rddreg [dreg:$0x0];
	s1 =	sor.u32 s0, s1  }
0x5: {  	s4 =	simm.s32 $0x1;
	s7 =	simm.s32 $0x2;
	s2 =	sshll.u32 s1, $0x4  }
0x6: {  	s14 =	simm.s32 $0x0;
	s8 =	simm.s32 $0x800;
	s3 =	ssub.s32 $0x4000, s2  }
0x7: {  	s9 =	simm.s32 $0x200000;
	s10 =	simm.s32 $0x0;
	s31 =	sand.u32 $0x1F0, s3  }
0x8: {  	s15 =	simm.s32 $0x0;
	s12 =	simm.s32 $0x0;
	p0 =	sne.s32 s31, $0x0  }
.Ltmp0:
0x9: {  	s3 =	sshrl.u32 s3, $0x9;
	s4 =	simm.s32 @!p0 $0x0;
	(pc) =	sbr.rel .LBB1_1-.Ltmp0, $4  }
0xa: {  	s13 =	simm.s32 $0x0;
	s1 =	rddreg [dreg:$0x1];
	s5 =	sadd.s32 s4, s3  }
0xb: {  	_ =	strace $0x8000004A;
	s4 =	simm.s32 $0x1;
	s5 =	smul.u32 $0x3, s5  }
0xc: {  	s11 =	smov.u32 s2;
	s3 =	sadd.s32 $0x800, s6;
	[sflag:s4] =	ssyncpa.u1 $0x0  }
0xd: {  	s6 =	sadd.s32 $0x600800, s6;
	[sflag:s7] =	ssyncpa.u1 $0x0;
	s7 =	sadd.s32 $0x1, s5  }
.LBB1_7:
0xe: {  	s16 =	sadd.s32 $0x200, s11  }
0xf: {  	s14 =	simm.s32 $0x1;
	p1 =	sgt.s32 s16, $0x3FFF  }
0x10: {  	s14 =	simm.s32 @!p1 $0x0  }
0x11: {  	s18 =	sadd.s32 s14, s12  }
0x12: {  	s16 =	smov.u32 @p1 s2;
	p1 =	sgt.s32 s18, $0x2  }
0x13: {  	s18 =	simm.s32 @p1 $0x0;
	p1 =	sne.s32 s13, s7  }
.Ltmp1:
0x14: {  	p0 =	slt.u32 s13, $0x2;
	(pc) =	sbr.rel @!p1 .LBB1_8-.Ltmp1, $4  }
0x15: {  	s17 =	simm.s32 @!p0 $0x2  }
0x16: {  	s15 =	smov.u32 s12;
	s10 =	sadd.s32 $0x4000, s10;
	_ =	swait.ge @!p0 [sflag:s17], $0x4000  }
0x17: {  	[sflag:s17] =	ssyncset.done @!p0 $0x0;
	s14 =	smov.u32 s11;
	s11 =	smov.u32 s16  }
0x18: {  	[sflag:s17] =	ssyncadd.s32 @!p0 $0xFFFFC000;
	s13 =	sadd.s32 $0x1, s13;
	s12 =	smov.u32 s18  }
.LBB1_1:
0x19: {  	p0 =	sge.u32 s13, s5  }
0x1a: {  	s31 =	sadd.s32 $0xFFFFFFFF, s13;
	s16 =	sxor.u32 @!p0 $0xFFFFFFFF, s13;
	s17 =	sshll.u32 @!p0 s12, $0x15  }
0x1b: {  	s18 =	sshll.u32 @!p0 s11, $0x7;
	s16 =	sshll.u32 @!p0 s16, $0xE;
	s17 =	sadd.s32 @!p0 s3, s17  }
0x1c: {  	s16 =	sand.u32 @!p0 $0x4000, s16;
	s17 =	sadd.s32 @!p0 s18, s17;
	s18 =	simm.s32 @!p0 $0x0  }
0x1d: {  	[tilespmem:s16], [sflag:$0x1] =	stream.linear.gather @!p0 [hbm4b:s17+s18], $0x4000, $0x38;
	[tilespmem:$0x10000] =	vst v63  }
0x1e: {  	p0 =	sge.u32 s31, s5  }
.Ltmp2:
0x1f: {  	_ = 	snop;
	(pc) =	sbr.rel @p0 .LBB1_7-.Ltmp2, $1  }
0x20: {  	_ =	sdelay $0x3  }
0x21: {  	s17 =	sand.u32 $0x4000, s10  }
0x22: {  	_ =	swait.ge [sflag:s4], $0x4000;
	s19 =	sshll.u32 s13, $0xE;
	s16 =	sor.u32 $0x8040, s17  }
0x23: {  	s18 =	sor.u32 $0x40, s17;
	[sflag:s4] =	ssyncset.done $0x0;
	s31 =	sand.u32 $0x4000, s19  }
0x24: {  	s19 =	simm.s32 $0x0;
	[sflag:s4] =	ssyncadd.s32 $0xFFFFC000;
	s17 =	sor.u32 $0x8000, s31  }
.LBB1_3:
0x25: {  	v0 =	vmov s18;
	_ =	sdelay $0x3  }
0x26: {  	s21 =	simm.s32 $0x0  }
0x27: {  	v6 =	vld.idx.msk [tilespmem:v0+s21+$0x30 ss:$0x1], $0xffff  }
0x28: {  	v7 =	vld.idx.msk [tilespmem:v0+s21+$0xFFFFFFC0 ss:$0x1], $0xffff  }
0x29: {  	v5 =	vld.idx.msk [tilespmem:v0+s21+$0xFFFFFFD0 ss:$0x1], $0xffff  }
0x2a: {  	v4 =	vld.idx.msk [tilespmem:v0+s21+$0xFFFFFFE0 ss:$0x1], $0xffff  }
0x2b: {  	v3 =	vld.idx.msk [tilespmem:v0+s21+$0xFFFFFFF0 ss:$0x1], $0xffff  }
0x2c: {  	v1 =	vld.idx.msk [tilespmem:v0+s21+$0x0 ss:$0x1], $0xffff  }
0x2d: {  	v2 =	vld.idx.msk [tilespmem:v0+s21+$0x10 ss:$0x1], $0xffff;
	[tilespmem:s16+$0x30] =	vst v6  }
0x2e: {  	s20 =	simm.s32 $0x80;
	s22 =	simm.s32 $0x400;
	[tilespmem:s16+$0xFFFFFFC0] =	vst v7;
	v6 =	vld.idx.msk [tilespmem:v0+s21+$0x20 ss:$0x1], $0xffff;
	s21 =	smov.u32 s16  }
.LBB1_4:
0x2f: {  	p0 =	sne.s32 s22, $0xE00;
	v7 =	vld.idx.msk [tilespmem:v0+s20+$0x30 ss:$0x1], $0xffff;
	[tilespmem:s21+$0xFFFFFFD0] =	vst v5  }
0x30: {  	v8 =	vld.idx.msk [tilespmem:v0+s20+$0xFFFFFFC0 ss:$0x1], $0xffff;
	[tilespmem:s21+$0xFFFFFFE0] =	vst v4  }
0x31: {  	v5 =	vld.idx.msk [tilespmem:v0+s20+$0xFFFFFFD0 ss:$0x1], $0xffff;
	[tilespmem:s21+$0xFFFFFFF0] =	vst v3  }
.Ltmp3:
0x32: {  	v4 =	vld.idx.msk [tilespmem:v0+s20+$0xFFFFFFE0 ss:$0x1], $0xffff;
	[tilespmem:s21+$0x0] =	vst v1;
	(pc) =	sbr.rel @p0 .LBB1_4-.Ltmp3, $4  }
0x33: {  	v3 =	vld.idx.msk [tilespmem:v0+s20+$0xFFFFFFF0 ss:$0x1], $0xffff;
	[tilespmem:s21+$0x10] =	vst v2  }
0x34: {  	v1 =	vld.idx.msk [tilespmem:v0+s20+$0x0 ss:$0x1], $0xffff;
	[tilespmem:s21+$0x20] =	vst v6;
	s21 =	sadd.s32 $0x800, s21  }
0x35: {  	v2 =	vld.idx.msk [tilespmem:v0+s20+$0x10 ss:$0x1], $0xffff;
	[tilespmem:s21+$0x30] =	vst v7  }
0x36: {  	[tilespmem:s21+$0xFFFFFFC0] =	vst v8;
	v6 =	vld.idx.msk [tilespmem:v0+s20+$0x20 ss:$0x1], $0xffff;
	s20 =	sshra.s32 s22, $0x2;
	s22 =	sadd.s32 $0x200, s22  }
0x37: {  	_ =	sdelay $0x2  }
0x38: {  	[tilespmem:s21+$0xFFFFFFD0] =	vst v5  }
0x39: {  	v56 =	vld.idx.msk [tilespmem:v0+s20+$0x30 ss:$0x1], $0xffff;
	[tilespmem:s21+$0xFFFFFFE0] =	vst v4  }
0x3a: {  	v57 =	vld.idx.msk [tilespmem:v0+s20+$0xFFFFFFC0 ss:$0x1], $0xffff;
	[tilespmem:s21+$0xFFFFFFF0] =	vst v3  }
0x3b: {  	v58 =	vld.idx.msk [tilespmem:v0+s20+$0xFFFFFFD0 ss:$0x1], $0xffff;
	[tilespmem:s21+$0x0] =	vst v1  }
0x3c: {  	v59 =	vld.idx.msk [tilespmem:v0+s20+$0xFFFFFFE0 ss:$0x1], $0xffff;
	[tilespmem:s21+$0x10] =	vst v2  }
0x3d: {  	v60 =	vld.idx.msk [tilespmem:v0+s20+$0xFFFFFFF0 ss:$0x1], $0xffff;
	s31 =	sadd.s32 $0x800, s21;
	[tilespmem:s21+$0x20] =	vst v6  }
0x3e: {  	v61 =	vld.idx.msk [tilespmem:v0+s20+$0x0 ss:$0x1], $0xffff;
	[tilespmem:s31+$0x30] =	vst v56  }
0x3f: {  	v62 =	vld.idx.msk [tilespmem:v0+s20+$0x10 ss:$0x1], $0xffff;
	s19 =	sadd.s32 $0x1, s19;
	[tilespmem:s31+$0xFFFFFFC0] =	vst v57  }
0x40: {  	v63 =	vld.idx.msk [tilespmem:v0+s20+$0x20 ss:$0x1], $0xffff;
	p0 =	sne.s32 s19, $0x10;
	[tilespmem:s31+$0xFFFFFFD0] =	vst v58  }
.Ltmp4:
0x41: {  	[tilespmem:s31+$0xFFFFFFE0] =	vst v59;
	(pc) =	sbr.rel @p0 .LBB1_3-.Ltmp4, $4  }
0x42: {  	[tilespmem:s31+$0xFFFFFFF0] =	vst v60  }
0x43: {  	[tilespmem:s31+$0x0] =	vst v61  }
0x44: {  	[tilespmem:s31+$0x10] =	vst v62  }
0x45: {  	s16 =	sadd.s32 $0x80, s16;
	s18 =	sadd.s32 $0x400, s18;
	[tilespmem:s31+$0x20] =	vst v63  }
.Ltmp5:
0x46: {  	(pc) =	sbr.rel .LBB1_7-.Ltmp5, $4  }
0x47: {  	s15 =	sshll.u32 s15, $0x15;
	s14 =	sshll.u32 s14, $0x4  }
0x48: {  	s14 =	sand.u32 $0x3FFF0, s14;
	s15 =	sadd.s32 s6, s15  }
0x49: {  	s14 =	sadd.s32 s14, s15  }
0x4a: {  	[hbm4b:s14+s8] =	stream.strided.scatter [tilespmem:s17], [sflag:$0x2], $0x4000, s9, s8, $0x38;
	[tilespmem:$0x10000] =	vst v63  }
.LBB1_8:
0x4b: {  	_ =	sfence.sel $0x180000  }
0x4c: {  	s2 =	simm.s32 $0x1;
	[bflag:$0x0] =	sbarrier.arrive $0xFFFF  }
0x4d: {  	s31 =	simm.s32 $0x2;
	[sflag:s2] =	ssyncpa.u1 $0x1  }
0x4e: {  	[sflag:s31] =	ssyncpa.u1 $0x1  }
0x4f: {  	p0 =	sne.s32 s0, $0x0;
	_ =	strace $0x9000004A  }
0x50: {  	s0 =	sadd.s32 @!p0 $0x100000, s1;
	[bflag:$0x2] =	sbarrier.arrive $0xFFFF  }
0x51: {  	[sflag:s0] =	ssyncadd.tile.s32 @!p0 $0x1;
	_ =	shalt  }
.Lfunc_end1:
_tile_overlayer_lowered:
.L_overlay_start_2:
0x52: {  	(tag) =	ssettag $0x2  }
0x53: {  	s0 =	rddreg [dreg:$0x0];
	s2 =	stileid.u32  }
0x54: {  	s1 =	rddreg [dreg:$0x1];
	p0 =	sne.s32 s2, $0x0  }
0x55: {  	s3 =	rddreg [dreg:$0x2];
	[bflag:$0x3] =	sbarrier.arrive $0xFFFF;
	s2 =	simm.s32 @!p0 $0x1C01  }
0x56: {  	[timem:s3], [sflag:s2] =	dma.local @!p0 [hbm:s0], s1  }
0x57: {  	s0 =	simm.s32 @!p0 $0x1  }
0x58: {  	_ =	swait.ge @!p0 [sflag:s0], s1  }
0x59: {  	s1 =	ssub.s32 @!p0 $0x0, s1;
	[sflag:s0] =	ssyncset.done @!p0 $0x0  }
0x5a: {  	[sflag:s0] =	ssyncadd.s32 @!p0 s1  }
0x5b: {  	[bflag:$0x3] =	sbarrier.arrive $0xFFFF  }
0x5c: {  	_ =	shalt  }

</sc_bundles>
